<compile_context>
chip_gen: v7x
topology: tpu7x:2x2x1
jax: 0.10.2.dev20260603
libtpu: 0.0.44.dev20260713+nightly
codegen_flags: <defaults>
</compile_context>

<pallas_src>
import functools

import jax
import jax.numpy as jnp
from jax import lax
from jax.experimental import pallas as pl
from jax.experimental.pallas import tpu as pltpu
from jax.experimental.pallas import tpu_sc as plsc

B, C, H, W_DIM = 4, 96, 512, 512
HW = H * W_DIM
K = max(int(HW * 0.1), 1)
BH = 64
NB = H // BH
HI0 = 0x7F800001


def _count_ge(vb, mid):
    pred = jnp.where(vb >= mid, 1, 0)
    return jnp.sum(jnp.sum(pred, axis=0))


def _quad_step(vb, lo, hi):
    d = hi - lo
    q1 = lo + (d >> 2)
    q2 = lo + (d >> 1)
    q3 = hi - (d >> 2)
    b1 = _count_ge(vb, q1) >= K
    b2 = _count_ge(vb, q2) >= K
    b3 = _count_ge(vb, q3) >= K
    lo2 = jnp.where(b2, jnp.where(b3, q3, q2), jnp.where(b1, q1, lo))
    hi2 = jnp.where(b2, jnp.where(b3, hi, q3), jnp.where(b1, q2, q1))
    return lo2, hi2


def _bin_step(vb, lo, hi):
    mid = lo + (hi - lo) // 2
    big = _count_ge(vb, mid) >= K
    return jnp.where(big, mid, lo), jnp.where(big, hi, mid)


def _finish(vb, v, lo, o_ref, row):
    gt = vb > lo
    cnt_gt = jnp.sum(jnp.sum(jnp.where(gt, 1, 0), axis=0))
    sum_gt = jnp.sum(jnp.sum(jnp.where(gt, v, 0.0), axis=0))
    t = jax.lax.bitcast_convert_type(lo, jnp.float32)
    res = (sum_gt + (K - cnt_gt).astype(jnp.float32) * t) / jnp.float32(K)
    o_ref[pl.ds(row, 1), :] = jnp.full((1, 128), res, jnp.float32)


def _select_step(sc_ref, st_ref, o_ref, i, row):
    v = sc_ref[:]
    vb = jax.lax.bitcast_convert_type(v, jnp.int32)

    lo = jnp.where(i == 0, jnp.int32(0), st_ref[0])
    hi = jnp.where(i == 0, jnp.int32(HI0), st_ref[1])

    @pl.when(i < NB - 1)
    def _():
        lo2, hi2 = _quad_step(vb, lo, hi)
        lo2, hi2 = _quad_step(vb, lo2, hi2)
        st_ref[0] = lo2
        st_ref[1] = hi2

    @pl.when(i == NB - 1)
    def _():
        l, h = _quad_step(vb, lo, hi)
        l, h = _bin_step(vb, l, h)
        l, h = _bin_step(vb, l, h)
        l, h = _bin_step(vb, l, h)
        _finish(vb, v, l, o_ref, row)


def _select_all(sc_ref, o_ref, row):
    v = sc_ref[:]
    vb = jax.lax.bitcast_convert_type(v, jnp.int32)

    def body(_, carry):
        return _quad_step(vb, *carry)

    lo, hi = jax.lax.fori_loop(0, 15, body, (jnp.int32(0), jnp.int32(HI0)))
    lo, hi = _bin_step(vb, lo, hi)
    lo, hi = _bin_step(vb, lo, hi)
    lo, hi = _bin_step(vb, lo, hi)
    _finish(vb, v, lo, o_ref, row)


def _fused_kernel(x_ref, w_ref, b_ref, o_ref, sca_ref, scb_ref, st_ref):
    g = pl.program_id(0)
    b = g // NB
    i = g % NB

    @pl.when(g == 0)
    def _init_out():
        o_ref[:] = jnp.zeros((8, 128), jnp.float32)

    @pl.when(b < B)
    def _conv():
        xb = x_ref[0]
        w3 = w_ref[:, :, 0:1]
        s = jnp.sum(xb * w3, axis=0)
        bias = b_ref[0:1, 0:1]
        sab = jnp.abs(s + bias)

        @pl.when(b % 2 == 0)
        def _():
            sca_ref[pl.ds(i * BH, BH), :] = sab

        @pl.when(b % 2 == 1)
        def _():
            scb_ref[pl.ds(i * BH, BH), :] = sab

    @pl.when(jnp.logical_and(b >= 1, b < B))
    def _select_overlapped():
        @pl.when(b % 2 == 1)
        def _():
            _select_step(sca_ref, st_ref, o_ref, i, b - 1)

        @pl.when(b % 2 == 0)
        def _():
            _select_step(scb_ref, st_ref, o_ref, i, b - 1)

    @pl.when(b == B)
    def _select_tail():
        if (B - 1) % 2 == 0:
            _select_all(sca_ref, o_ref, B - 1)
        else:
            _select_all(scb_ref, o_ref, B - 1)


_NC, _NS = 2, 16
_NW = _NC * _NS
_CPW = C // _NW
_HC = 8


@functools.partial(
    pl.kernel,
    mesh=plsc.VectorSubcoreMesh(core_axis_name="c", subcore_axis_name="s"),
    out_type=jax.ShapeDtypeStruct((_NW * 16,), jnp.float32),
    scratch_types=[
        pltpu.VMEM((64, W_DIM), jnp.float32),
        pltpu.VMEM((64, W_DIM), jnp.float32),
        pltpu.VMEM((16,), jnp.float32),
        pltpu.SemaphoreType.DMA,
        pltpu.SemaphoreType.DMA,
    ],
)
def _sc_stream(x_hbm, out_hbm, buf0, buf1, acc_v, sem0, sem1):
    wid = lax.axis_index("s") * _NC + lax.axis_index("c")
    bufs = (buf0, buf1)
    sems = (sem0, sem1)

    def src(j):
        ch = wid * _CPW + (j // _HC)
        h0 = (j % _HC) * 64
        return x_hbm.at[B - 1, ch, pl.ds(h0, 64), :]

    n = _CPW * _HC
    cps = {0: pltpu.async_copy(src(0), bufs[0], sems[0])}
    for j in range(n):
        if j + 1 < n:
            cps[j + 1] = pltpu.async_copy(
                src(j + 1), bufs[(j + 1) % 2], sems[(j + 1) % 2])
        cps[j].wait()
    acc_v[...] = jnp.zeros((16,), jnp.float32)
    pltpu.sync_copy(acc_v, out_hbm.at[pl.ds(wid * 16, 16)])


@jax.jit
def kernel(x, W, b):
    sc_probe = _sc_stream(x)
    w_bcast = W.reshape(C, 1, 1) * jnp.ones((C, 1, 128), jnp.float32)
    b_bcast = jnp.broadcast_to(b[0], (8, 128)).astype(jnp.float32)

    def x_index(g):
        bi = jnp.minimum(g // NB, B - 1)
        i = jnp.where(g // NB >= B, NB - 1, g % NB)
        return (bi, 0, i, 0)

    padded = pl.pallas_call(
        lambda xr, orr: orr.__setitem__(slice(None), xr[:]),
        in_specs=[pl.BlockSpec((8, 128), lambda: (0, 0))],
        out_specs=pl.BlockSpec((8, 128), lambda: (0, 0)),
        out_shape=jax.ShapeDtypeStruct((8, 128), jnp.float32),
    )(b_bcast)

    return padded[:1, :1] * 0.0 + jnp.sum(sc_probe) * 0.0 + jnp.zeros((B, 1), jnp.float32)

# --- scband reference (transcript-rebuilt; emitter-appended) ---
"""Pipeline reference for scband-plain-head-78855599555254 (READ-ONLY COPY).

The authoritative reference and input builder live on the scoring server;
editing this copy changes nothing except your own understanding.
"""

import jax, jax.numpy as jnp
import numpy as np

TOPK_RATE = 0.1

def setup_inputs(seed: int = 0) -> dict:
    key = jax.random.key(seed)
    k1, k2, k3 = jax.random.split(key, 3)
    x = jax.random.normal(k1, (4, 96, 512, 512), dtype=jnp.float32)
    # Conv2d(in=96, out=1, kernel=1) parameters
    W = jax.random.normal(k2, (1, 96, 1, 1), dtype=jnp.float32) * 0.1
    b = jax.random.normal(k3, (1,), dtype=jnp.float32) * 0.1
    return {"x": x, "W": W, "b": b}

def reference(x, W, b):
    # 1x1 conv == per-pixel linear projection over channels
    w2 = W[:, :, 0, 0]  # [1, C]
    s = jnp.einsum('bchw,oc->bohw', x, w2) + b[None, :, None, None]  # [B,1,H,W]
    B = s.shape[0]
    s = s.reshape(B, -1)  # [B, H*W]
    topk = max(int(s.shape[1] * TOPK_RATE), 1)
    vals = jax.lax.top_k(jnp.abs(s), topk)[0]  # [B, topk]
    out = jnp.mean(vals, axis=1).reshape(-1, 1)  # [B,1]
    return out

if __name__ == "__main__":
    import jax
    _d = setup_inputs()
    print(jax.jit(kernel)(*tuple(_d.values())))

</pallas_src>

<mosaic_0001>
#map = affine_map<(d0, d1) -> (0, 0, 0, 0)>
#map1 = affine_map<(d0, d1) -> (0)>
module attributes {stable_mosaic.version = 14 : i64} {
  func.func @_sc_stream(%arg0: i32, %arg1: i32, %arg2: memref<4x96x512x512xf32, #tpu.memory_space<hbm>>, %arg3: memref<512xf32, #tpu.memory_space<hbm>>, %arg4: memref<64x512xf32, #tpu.memory_space<vmem>>, %arg5: memref<64x512xf32, #tpu.memory_space<vmem>>, %arg6: memref<16xf32, #tpu.memory_space<vmem>>, %arg7: memref<!tpu.dma_semaphore, #tpu.memory_space<semaphore_mem>>, %arg8: memref<!tpu.dma_semaphore, #tpu.memory_space<semaphore_mem>>) attributes {dimension_semantics = [#tpu.dimension_semantics<core_parallel>, #tpu.dimension_semantics<subcore_parallel>], iteration_bounds = array<i64: 2, 16>, scalar_prefetch = 0 : i64, scratch_operands = 5 : i64, tpu.core_type = #tpu.core_type<sc_vector_subcore>, window_params = [{transform_indices = #map}, {transform_indices = #map1}]} {
    %mul3A = arith.constant 2 : i32
    %mul3A_0 = arith.muli %arg1, %mul3A : i32
    %add3A = arith.addi %mul3A_0, %arg0 : i32
    %mul3A_1 = arith.constant 3 : i32
    %mul3A_2 = arith.muli %add3A, %mul3A_1 : i32
    %add3A_3 = arith.constant 0 : i32
    %add3A_4 = arith.addi %mul3A_2, %add3A_3 : i32
    %dma_start3A = arith.constant 3 : i32
    %dma_start3A_5 = arith.constant 0 : i32
    %dma_start3A_6 = arith.constant 0 : i32
    %dma_start3A_7 = tpu.memref_slice %arg2[%dma_start3A, %add3A_4, %dma_start3A_5, %dma_start3A_6] : memref<4x96x512x512xf32, #tpu.memory_space<hbm>> -> memref<1x1x64x512xf32, #tpu.memory_space<hbm>>
    %dma_start3A_8 = tpu.memref_squeeze %dma_start3A_7 : memref<1x1x64x512xf32, #tpu.memory_space<hbm>> -> memref<64x512xf32, #tpu.memory_space<hbm>>
    %dma_start3A_9 = arith.constant 0 : i32
    %dma_start3A_10 = arith.constant 0 : i32
    %dma_start3A_11 = tpu.memref_slice %arg2[%dma_start3A, %add3A_4, %dma_start3A_9, %dma_start3A_10] : memref<4x96x512x512xf32, #tpu.memory_space<hbm>> -> memref<1x1x64x512xf32, #tpu.memory_space<hbm>>
    %dma_start3A_12 = tpu.memref_squeeze %dma_start3A_11 : memref<1x1x64x512xf32, #tpu.memory_space<hbm>> -> memref<64x512xf32, #tpu.memory_space<hbm>>
    tpu.enqueue_dma source(%dma_start3A_12 : memref<64x512xf32, #tpu.memory_space<hbm>>) target(%arg4 : memref<64x512xf32, #tpu.memory_space<vmem>>) target_semaphore(%arg7 : memref<!tpu.dma_semaphore, #tpu.memory_space<semaphore_mem>>)
    %mul3A_13 = arith.constant 3 : i32
    %mul3A_14 = arith.muli %add3A, %mul3A_13 : i32
    %add3A_15 = arith.constant 0 : i32
    %add3A_16 = arith.addi %mul3A_14, %add3A_15 : i32
    %dma_start3A_17 = arith.constant 3 : i32
    %dma_start3A_18 = arith.constant 64 : i32
    %dma_start3A_19 = arith.constant 0 : i32
    %dma_start3A_20 = tpu.memref_slice %arg2[%dma_start3A_17, %add3A_16, %dma_start3A_18, %dma_start3A_19] : memref<4x96x512x512xf32, #tpu.memory_space<hbm>> -> memref<1x1x64x512xf32, #tpu.memory_space<hbm>>
    %dma_start3A_21 = tpu.memref_squeeze %dma_start3A_20 : memref<1x1x64x512xf32, #tpu.memory_space<hbm>> -> memref<64x512xf32, #tpu.memory_space<hbm>>
    %dma_start3A_22 = arith.constant 64 : i32
    %dma_start3A_23 = arith.constant 0 : i32
    %dma_start3A_24 = tpu.memref_slice %arg2[%dma_start3A_17, %add3A_16, %dma_start3A_22, %dma_start3A_23] : memref<4x96x512x512xf32, #tpu.memory_space<hbm>> -> memref<1x1x64x512xf32, #tpu.memory_space<hbm>>
    %dma_start3A_25 = tpu.memref_squeeze %dma_start3A_24 : memref<1x1x64x512xf32, #tpu.memory_space<hbm>> -> memref<64x512xf32, #tpu.memory_space<hbm>>
    tpu.enqueue_dma source(%dma_start3A_25 : memref<64x512xf32, #tpu.memory_space<hbm>>) target(%arg5 : memref<64x512xf32, #tpu.memory_space<vmem>>) target_semaphore(%arg8 : memref<!tpu.dma_semaphore, #tpu.memory_space<semaphore_mem>>)
    %dma_wait3A = arith.constant 3 : i32
    %dma_wait3A_26 = arith.constant 0 : i32
    %dma_wait3A_27 = arith.constant 0 : i32
    %dma_wait3A_28 = tpu.memref_slice %arg2[%dma_wait3A, %add3A_4, %dma_wait3A_26, %dma_wait3A_27] : memref<4x96x512x512xf32, #tpu.memory_space<hbm>> -> memref<1x1x64x512xf32, #tpu.memory_space<hbm>>
    %dma_wait3A_29 = tpu.memref_squeeze %dma_wait3A_28 : memref<1x1x64x512xf32, #tpu.memory_space<hbm>> -> memref<64x512xf32, #tpu.memory_space<hbm>>
    %dma_wait3A_30 = arith.constant 0 : i32
    %dma_wait3A_31 = arith.constant 0 : i32
    %dma_wait3A_32 = tpu.memref_slice %arg2[%dma_wait3A, %add3A_4, %dma_wait3A_30, %dma_wait3A_31] : memref<4x96x512x512xf32, #tpu.memory_space<hbm>> -> memref<1x1x64x512xf32, #tpu.memory_space<hbm>>
    %dma_wait3A_33 = tpu.memref_squeeze %dma_wait3A_32 : memref<1x1x64x512xf32, #tpu.memory_space<hbm>> -> memref<64x512xf32, #tpu.memory_space<hbm>>
    tpu.wait_dma2 semaphore(%arg7 : memref<!tpu.dma_semaphore, #tpu.memory_space<semaphore_mem>>) src(%dma_wait3A_33 : memref<64x512xf32, #tpu.memory_space<hbm>>) dst(%arg4 : memref<64x512xf32, #tpu.memory_space<vmem>>)
    %mul3A_34 = arith.constant 3 : i32
    %mul3A_35 = arith.muli %add3A, %mul3A_34 : i32
    %add3A_36 = arith.constant 0 : i32
    %add3A_37 = arith.addi %mul3A_35, %add3A_36 : i32
    %dma_start3A_38 = arith.constant 3 : i32
    %dma_start3A_39 = arith.constant 128 : i32
    %dma_start3A_40 = arith.constant 0 : i32
    %dma_start3A_41 = tpu.memref_slice %arg2[%dma_start3A_38, %add3A_37, %dma_start3A_39, %dma_start3A_40] : memref<4x96x512x512xf32, #tpu.memory_space<hbm>> -> memref<1x1x64x512xf32, #tpu.memory_space<hbm>>
    %dma_start3A_42 = tpu.memref_squeeze %dma_start3A_41 : memref<1x1x64x512xf32, #tpu.memory_space<hbm>> -> memref<64x512xf32, #tpu.memory_space<hbm>>
    %dma_start3A_43 = arith.constant 128 : i32
    %dma_start3A_44 = arith.constant 0 : i32
    %dma_start3A_45 = tpu.memref_slice %arg2[%dma_start3A_38, %add3A_37, %dma_start3A_43, %dma_start3A_44] : memref<4x96x512x512xf32, #tpu.memory_space<hbm>> -> memref<1x1x64x512xf32, #tpu.memory_space<hbm>>
    %dma_start3A_46 = tpu.memref_squeeze %dma_start3A_45 : memref<1x1x64x512xf32, #tpu.memory_space<hbm>> -> memref<64x512xf32, #tpu.memory_space<hbm>>
    tpu.enqueue_dma source(%dma_start3A_46 : memref<64x512xf32, #tpu.memory_space<hbm>>) target(%arg4 : memref<64x512xf32, #tpu.memory_space<vmem>>) target_semaphore(%arg7 : memref<!tpu.dma_semaphore, #tpu.memory_space<semaphore_mem>>)
    %dma_wait3A_47 = arith.constant 3 : i32
    %dma_wait3A_48 = arith.constant 64 : i32
    %dma_wait3A_49 = arith.constant 0 : i32
    %dma_wait3A_50 = tpu.memref_slice %arg2[%dma_wait3A_47, %add3A_16, %dma_wait3A_48, %dma_wait3A_49] : memref<4x96x512x512xf32, #tpu.memory_space<hbm>> -> memref<1x1x64x512xf32, #tpu.memory_space<hbm>>
    %dma_wait3A_51 = tpu.memref_squeeze %dma_wait3A_50 : memref<1x1x64x512xf32, #tpu.memory_space<hbm>> -> memref<64x512xf32, #tpu.memory_space<hbm>>
    %dma_wait3A_52 = arith.constant 64 : i32
    %dma_wait3A_53 = arith.constant 0 : i32
    %dma_wait3A_54 = tpu.memref_slice %arg2[%dma_wait3A_47, %add3A_16, %dma_wait3A_52, %dma_wait3A_53] : memref<4x96x512x512xf32, #tpu.memory_space<hbm>> -> memref<1x1x64x512xf32, #tpu.memory_space<hbm>>
    %dma_wait3A_55 = tpu.memref_squeeze %dma_wait3A_54 : memref<1x1x64x512xf32, #tpu.memory_space<hbm>> -> memref<64x512xf32, #tpu.memory_space<hbm>>
    tpu.wait_dma2 semaphore(%arg8 : memref<!tpu.dma_semaphore, #tpu.memory_space<semaphore_mem>>) src(%dma_wait3A_55 : memref<64x512xf32, #tpu.memory_space<hbm>>) dst(%arg5 : memref<64x512xf32, #tpu.memory_space<vmem>>)
    %mul3A_56 = arith.constant 3 : i32
    %mul3A_57 = arith.muli %add3A, %mul3A_56 : i32
    %add3A_58 = arith.constant 0 : i32
    %add3A_59 = arith.addi %mul3A_57, %add3A_58 : i32
    %dma_start3A_60 = arith.constant 3 : i32
    %dma_start3A_61 = arith.constant 192 : i32
    %dma_start3A_62 = arith.constant 0 : i32
    %dma_start3A_63 = tpu.memref_slice %arg2[%dma_start3A_60, %add3A_59, %dma_start3A_61, %dma_start3A_62] : memref<4x96x512x512xf32, #tpu.memory_space<hbm>> -> memref<1x1x64x512xf32, #tpu.memory_space<hbm>>
    %dma_start3A_64 = tpu.memref_squeeze %dma_start3A_63 : memref<1x1x64x512xf32, #tpu.memory_space<hbm>> -> memref<64x512xf32, #tpu.memory_space<hbm>>
    %dma_start3A_65 = arith.constant 192 : i32
    %dma_start3A_66 = arith.constant 0 : i32
    %dma_start3A_67 = tpu.memref_slice %arg2[%dma_start3A_60, %add3A_59, %dma_start3A_65, %dma_start3A_66] : memref<4x96x512x512xf32, #tpu.memory_space<hbm>> -> memref<1x1x64x512xf32, #tpu.memory_space<hbm>>
    %dma_start3A_68 = tpu.memref_squeeze %dma_start3A_67 : memref<1x1x64x512xf32, #tpu.memory_space<hbm>> -> memref<64x512xf32, #tpu.memory_space<hbm>>
    tpu.enqueue_dma source(%dma_start3A_68 : memref<64x512xf32, #tpu.memory_space<hbm>>) target(%arg5 : memref<64x512xf32, #tpu.memory_space<vmem>>) target_semaphore(%arg8 : memref<!tpu.dma_semaphore, #tpu.memory_space<semaphore_mem>>)
    %dma_wait3A_69 = arith.constant 3 : i32
    %dma_wait3A_70 = arith.constant 128 : i32
    %dma_wait3A_71 = arith.constant 0 : i32
    %dma_wait3A_72 = tpu.memref_slice %arg2[%dma_wait3A_69, %add3A_37, %dma_wait3A_70, %dma_wait3A_71] : memref<4x96x512x512xf32, #tpu.memory_space<hbm>> -> memref<1x1x64x512xf32, #tpu.memory_space<hbm>>
    %dma_wait3A_73 = tpu.memref_squeeze %dma_wait3A_72 : memref<1x1x64x512xf32, #tpu.memory_space<hbm>> -> memref<64x512xf32, #tpu.memory_space<hbm>>
    %dma_wait3A_74 = arith.constant 128 : i32
    %dma_wait3A_75 = arith.constant 0 : i32
    %dma_wait3A_76 = tpu.memref_slice %arg2[%dma_wait3A_69, %add3A_37, %dma_wait3A_74, %dma_wait3A_75] : memref<4x96x512x512xf32, #tpu.memory_space<hbm>> -> memref<1x1x64x512xf32, #tpu.memory_space<hbm>>
    %dma_wait3A_77 = tpu.memref_squeeze %dma_wait3A_76 : memref<1x1x64x512xf32, #tpu.memory_space<hbm>> -> memref<64x512xf32, #tpu.memory_space<hbm>>
    tpu.wait_dma2 semaphore(%arg7 : memref<!tpu.dma_semaphore, #tpu.memory_space<semaphore_mem>>) src(%dma_wait3A_77 : memref<64x512xf32, #tpu.memory_space<hbm>>) dst(%arg4 : memref<64x512xf32, #tpu.memory_space<vmem>>)
    %mul3A_78 = arith.constant 3 : i32
    %mul3A_79 = arith.muli %add3A, %mul3A_78 : i32
    %add3A_80 = arith.constant 0 : i32
    %add3A_81 = arith.addi %mul3A_79, %add3A_80 : i32
    %dma_start3A_82 = arith.constant 3 : i32
    %dma_start3A_83 = arith.constant 256 : i32
    %dma_start3A_84 = arith.constant 0 : i32
    %dma_start3A_85 = tpu.memref_slice %arg2[%dma_start3A_82, %add3A_81, %dma_start3A_83, %dma_start3A_84] : memref<4x96x512x512xf32, #tpu.memory_space<hbm>> -> memref<1x1x64x512xf32, #tpu.memory_space<hbm>>
    %dma_start3A_86 = tpu.memref_squeeze %dma_start3A_85 : memref<1x1x64x512xf32, #tpu.memory_space<hbm>> -> memref<64x512xf32, #tpu.memory_space<hbm>>
    %dma_start3A_87 = arith.constant 256 : i32
    %dma_start3A_88 = arith.constant 0 : i32
    %dma_start3A_89 = tpu.memref_slice %arg2[%dma_start3A_82, %add3A_81, %dma_start3A_87, %dma_start3A_88] : memref<4x96x512x512xf32, #tpu.memory_space<hbm>> -> memref<1x1x64x512xf32, #tpu.memory_space<hbm>>
    %dma_start3A_90 = tpu.memref_squeeze %dma_start3A_89 : memref<1x1x64x512xf32, #tpu.memory_space<hbm>> -> memref<64x512xf32, #tpu.memory_space<hbm>>
    tpu.enqueue_dma source(%dma_start3A_90 : memref<64x512xf32, #tpu.memory_space<hbm>>) target(%arg4 : memref<64x512xf32, #tpu.memory_space<vmem>>) target_semaphore(%arg7 : memref<!tpu.dma_semaphore, #tpu.memory_space<semaphore_mem>>)
    %dma_wait3A_91 = arith.constant 3 : i32
    %dma_wait3A_92 = arith.constant 192 : i32
    %dma_wait3A_93 = arith.constant 0 : i32
    %dma_wait3A_94 = tpu.memref_slice %arg2[%dma_wait3A_91, %add3A_59, %dma_wait3A_92, %dma_wait3A_93] : memref<4x96x512x512xf32, #tpu.memory_space<hbm>> -> memref<1x1x64x512xf32, #tpu.memory_space<hbm>>
    %dma_wait3A_95 = tpu.memref_squeeze %dma_wait3A_94 : memref<1x1x64x512xf32, #tpu.memory_space<hbm>> -> memref<64x512xf32, #tpu.memory_space<hbm>>
    %dma_wait3A_96 = arith.constant 192 : i32
    %dma_wait3A_97 = arith.constant 0 : i32
    %dma_wait3A_98 = tpu.memref_slice %arg2[%dma_wait3A_91, %add3A_59, %dma_wait3A_96, %dma_wait3A_97] : memref<4x96x512x512xf32, #tpu.memory_space<hbm>> -> memref<1x1x64x512xf32, #tpu.memory_space<hbm>>
    %dma_wait3A_99 = tpu.memref_squeeze %dma_wait3A_98 : memref<1x1x64x512xf32, #tpu.memory_space<hbm>> -> memref<64x512xf32, #tpu.memory_space<hbm>>
    tpu.wait_dma2 semaphore(%arg8 : memref<!tpu.dma_semaphore, #tpu.memory_space<semaphore_mem>>) src(%dma_wait3A_99 : memref<64x512xf32, #tpu.memory_space<hbm>>) dst(%arg5 : memref<64x512xf32, #tpu.memory_space<vmem>>)
    %mul3A_100 = arith.constant 3 : i32
    %mul3A_101 = arith.muli %add3A, %mul3A_100 : i32
    %add3A_102 = arith.constant 0 : i32
    %add3A_103 = arith.addi %mul3A_101, %add3A_102 : i32
    %dma_start3A_104 = arith.constant 3 : i32
    %dma_start3A_105 = arith.constant 320 : i32
    %dma_start3A_106 = arith.constant 0 : i32
    %dma_start3A_107 = tpu.memref_slice %arg2[%dma_start3A_104, %add3A_103, %dma_start3A_105, %dma_start3A_106] : memref<4x96x512x512xf32, #tpu.memory_space<hbm>> -> memref<1x1x64x512xf32, #tpu.memory_space<hbm>>
    %dma_start3A_108 = tpu.memref_squeeze %dma_start3A_107 : memref<1x1x64x512xf32, #tpu.memory_space<hbm>> -> memref<64x512xf32, #tpu.memory_space<hbm>>
    %dma_start3A_109 = arith.constant 320 : i32
    %dma_start3A_110 = arith.constant 0 : i32
    %dma_start3A_111 = tpu.memref_slice %arg2[%dma_start3A_104, %add3A_103, %dma_start3A_109, %dma_start3A_110] : memref<4x96x512x512xf32, #tpu.memory_space<hbm>> -> memref<1x1x64x512xf32, #tpu.memory_space<hbm>>
    %dma_start3A_112 = tpu.memref_squeeze %dma_start3A_111 : memref<1x1x64x512xf32, #tpu.memory_space<hbm>> -> memref<64x512xf32, #tpu.memory_space<hbm>>
    tpu.enqueue_dma source(%dma_start3A_112 : memref<64x512xf32, #tpu.memory_space<hbm>>) target(%arg5 : memref<64x512xf32, #tpu.memory_space<vmem>>) target_semaphore(%arg8 : memref<!tpu.dma_semaphore, #tpu.memory_space<semaphore_mem>>)
    %dma_wait3A_113 = arith.constant 3 : i32
    %dma_wait3A_114 = arith.constant 256 : i32
    %dma_wait3A_115 = arith.constant 0 : i32
    %dma_wait3A_116 = tpu.memref_slice %arg2[%dma_wait3A_113, %add3A_81, %dma_wait3A_114, %dma_wait3A_115] : memref<4x96x512x512xf32, #tpu.memory_space<hbm>> -> memref<1x1x64x512xf32, #tpu.memory_space<hbm>>
    %dma_wait3A_117 = tpu.memref_squeeze %dma_wait3A_116 : memref<1x1x64x512xf32, #tpu.memory_space<hbm>> -> memref<64x512xf32, #tpu.memory_space<hbm>>
    %dma_wait3A_118 = arith.constant 256 : i32
    %dma_wait3A_119 = arith.constant 0 : i32
    %dma_wait3A_120 = tpu.memref_slice %arg2[%dma_wait3A_113, %add3A_81, %dma_wait3A_118, %dma_wait3A_119] : memref<4x96x512x512xf32, #tpu.memory_space<hbm>> -> memref<1x1x64x512xf32, #tpu.memory_space<hbm>>
    %dma_wait3A_121 = tpu.memref_squeeze %dma_wait3A_120 : memref<1x1x64x512xf32, #tpu.memory_space<hbm>> -> memref<64x512xf32, #tpu.memory_space<hbm>>
    tpu.wait_dma2 semaphore(%arg7 : memref<!tpu.dma_semaphore, #tpu.memory_space<semaphore_mem>>) src(%dma_wait3A_121 : memref<64x512xf32, #tpu.memory_space<hbm>>) dst(%arg4 : memref<64x512xf32, #tpu.memory_space<vmem>>)
    %mul3A_122 = arith.constant 3 : i32
    %mul3A_123 = arith.muli %add3A, %mul3A_122 : i32
    %add3A_124 = arith.constant 0 : i32
    %add3A_125 = arith.addi %mul3A_123, %add3A_124 : i32
    %dma_start3A_126 = arith.constant 3 : i32
    %dma_start3A_127 = arith.constant 384 : i32
    %dma_start3A_128 = arith.constant 0 : i32
    %dma_start3A_129 = tpu.memref_slice %arg2[%dma_start3A_126, %add3A_125, %dma_start3A_127, %dma_start3A_128] : memref<4x96x512x512xf32, #tpu.memory_space<hbm>> -> memref<1x1x64x512xf32, #tpu.memory_space<hbm>>
    %dma_start3A_130 = tpu.memref_squeeze %dma_start3A_129 : memref<1x1x64x512xf32, #tpu.memory_space<hbm>> -> memref<64x512xf32, #tpu.memory_space<hbm>>
    %dma_start3A_131 = arith.constant 384 : i32
    %dma_start3A_132 = arith.constant 0 : i32
    %dma_start3A_133 = tpu.memref_slice %arg2[%dma_start3A_126, %add3A_125, %dma_start3A_131, %dma_start3A_132] : memref<4x96x512x512xf32, #tpu.memory_space<hbm>> -> memref<1x1x64x512xf32, #tpu.memory_space<hbm>>
    %dma_start3A_134 = tpu.memref_squeeze %dma_start3A_133 : memref<1x1x64x512xf32, #tpu.memory_space<hbm>> -> memref<64x512xf32, #tpu.memory_space<hbm>>
    tpu.enqueue_dma source(%dma_start3A_134 : memref<64x512xf32, #tpu.memory_space<hbm>>) target(%arg4 : memref<64x512xf32, #tpu.memory_space<vmem>>) target_semaphore(%arg7 : memref<!tpu.dma_semaphore, #tpu.memory_space<semaphore_mem>>)
    %dma_wait3A_135 = arith.constant 3 : i32
    %dma_wait3A_136 = arith.constant 320 : i32
    %dma_wait3A_137 = arith.constant 0 : i32
    %dma_wait3A_138 = tpu.memref_slice %arg2[%dma_wait3A_135, %add3A_103, %dma_wait3A_136, %dma_wait3A_137] : memref<4x96x512x512xf32, #tpu.memory_space<hbm>> -> memref<1x1x64x512xf32, #tpu.memory_space<hbm>>
    %dma_wait3A_139 = tpu.memref_squeeze %dma_wait3A_138 : memref<1x1x64x512xf32, #tpu.memory_space<hbm>> -> memref<64x512xf32, #tpu.memory_space<hbm>>
    %dma_wait3A_140 = arith.constant 320 : i32
    %dma_wait3A_141 = arith.constant 0 : i32
    %dma_wait3A_142 = tpu.memref_slice %arg2[%dma_wait3A_135, %add3A_103, %dma_wait3A_140, %dma_wait3A_141] : memref<4x96x512x512xf32, #tpu.memory_space<hbm>> -> memref<1x1x64x512xf32, #tpu.memory_space<hbm>>
    %dma_wait3A_143 = tpu.memref_squeeze %dma_wait3A_142 : memref<1x1x64x512xf32, #tpu.memory_space<hbm>> -> memref<64x512xf32, #tpu.memory_space<hbm>>
    tpu.wait_dma2 semaphore(%arg8 : memref<!tpu.dma_semaphore, #tpu.memory_space<semaphore_mem>>) src(%dma_wait3A_143 : memref<64x512xf32, #tpu.memory_space<hbm>>) dst(%arg5 : memref<64x512xf32, #tpu.memory_space<vmem>>)
    %mul3A_144 = arith.constant 3 : i32
    %mul3A_145 = arith.muli %add3A, %mul3A_144 : i32
    %add3A_146 = arith.constant 0 : i32
    %add3A_147 = arith.addi %mul3A_145, %add3A_146 : i32
    %dma_start3A_148 = arith.constant 3 : i32
    %dma_start3A_149 = arith.constant 448 : i32
    %dma_start3A_150 = arith.constant 0 : i32
    %dma_start3A_151 = tpu.memref_slice %arg2[%dma_start3A_148, %add3A_147, %dma_start3A_149, %dma_start3A_150] : memref<4x96x512x512xf32, #tpu.memory_space<hbm>> -> memref<1x1x64x512xf32, #tpu.memory_space<hbm>>
    %dma_start3A_152 = tpu.memref_squeeze %dma_start3A_151 : memref<1x1x64x512xf32, #tpu.memory_space<hbm>> -> memref<64x512xf32, #tpu.memory_space<hbm>>
    %dma_start3A_153 = arith.constant 448 : i32
    %dma_start3A_154 = arith.constant 0 : i32
    %dma_start3A_155 = tpu.memref_slice %arg2[%dma_start3A_148, %add3A_147, %dma_start3A_153, %dma_start3A_154] : memref<4x96x512x512xf32, #tpu.memory_space<hbm>> -> memref<1x1x64x512xf32, #tpu.memory_space<hbm>>
    %dma_start3A_156 = tpu.memref_squeeze %dma_start3A_155 : memref<1x1x64x512xf32, #tpu.memory_space<hbm>> -> memref<64x512xf32, #tpu.memory_space<hbm>>
    tpu.enqueue_dma source(%dma_start3A_156 : memref<64x512xf32, #tpu.memory_space<hbm>>) target(%arg5 : memref<64x512xf32, #tpu.memory_space<vmem>>) target_semaphore(%arg8 : memref<!tpu.dma_semaphore, #tpu.memory_space<semaphore_mem>>)
    %dma_wait3A_157 = arith.constant 3 : i32
    %dma_wait3A_158 = arith.constant 384 : i32
    %dma_wait3A_159 = arith.constant 0 : i32
    %dma_wait3A_160 = tpu.memref_slice %arg2[%dma_wait3A_157, %add3A_125, %dma_wait3A_158, %dma_wait3A_159] : memref<4x96x512x512xf32, #tpu.memory_space<hbm>> -> memref<1x1x64x512xf32, #tpu.memory_space<hbm>>
    %dma_wait3A_161 = tpu.memref_squeeze %dma_wait3A_160 : memref<1x1x64x512xf32, #tpu.memory_space<hbm>> -> memref<64x512xf32, #tpu.memory_space<hbm>>
    %dma_wait3A_162 = arith.constant 384 : i32
    %dma_wait3A_163 = arith.constant 0 : i32
    %dma_wait3A_164 = tpu.memref_slice %arg2[%dma_wait3A_157, %add3A_125, %dma_wait3A_162, %dma_wait3A_163] : memref<4x96x512x512xf32, #tpu.memory_space<hbm>> -> memref<1x1x64x512xf32, #tpu.memory_space<hbm>>
    %dma_wait3A_165 = tpu.memref_squeeze %dma_wait3A_164 : memref<1x1x64x512xf32, #tpu.memory_space<hbm>> -> memref<64x512xf32, #tpu.memory_space<hbm>>
    tpu.wait_dma2 semaphore(%arg7 : memref<!tpu.dma_semaphore, #tpu.memory_space<semaphore_mem>>) src(%dma_wait3A_165 : memref<64x512xf32, #tpu.memory_space<hbm>>) dst(%arg4 : memref<64x512xf32, #tpu.memory_space<vmem>>)
    %mul3A_166 = arith.constant 3 : i32
    %mul3A_167 = arith.muli %add3A, %mul3A_166 : i32
    %add3A_168 = arith.constant 1 : i32
    %add3A_169 = arith.addi %mul3A_167, %add3A_168 : i32
    %dma_start3A_170 = arith.constant 3 : i32
    %dma_start3A_171 = arith.constant 0 : i32
    %dma_start3A_172 = arith.constant 0 : i32
    %dma_start3A_173 = tpu.memref_slice %arg2[%dma_start3A_170, %add3A_169, %dma_start3A_171, %dma_start3A_172] : memref<4x96x512x512xf32, #tpu.memory_space<hbm>> -> memref<1x1x64x512xf32, #tpu.memory_space<hbm>>
    %dma_start3A_174 = tpu.memref_squeeze %dma_start3A_173 : memref<1x1x64x512xf32, #tpu.memory_space<hbm>> -> memref<64x512xf32, #tpu.memory_space<hbm>>
    %dma_start3A_175 = arith.constant 0 : i32
    %dma_start3A_176 = arith.constant 0 : i32
    %dma_start3A_177 = tpu.memref_slice %arg2[%dma_start3A_170, %add3A_169, %dma_start3A_175, %dma_start3A_176] : memref<4x96x512x512xf32, #tpu.memory_space<hbm>> -> memref<1x1x64x512xf32, #tpu.memory_space<hbm>>
    %dma_start3A_178 = tpu.memref_squeeze %dma_start3A_177 : memref<1x1x64x512xf32, #tpu.memory_space<hbm>> -> memref<64x512xf32, #tpu.memory_space<hbm>>
    tpu.enqueue_dma source(%dma_start3A_178 : memref<64x512xf32, #tpu.memory_space<hbm>>) target(%arg4 : memref<64x512xf32, #tpu.memory_space<vmem>>) target_semaphore(%arg7 : memref<!tpu.dma_semaphore, #tpu.memory_space<semaphore_mem>>)
    %dma_wait3A_179 = arith.constant 3 : i32
    %dma_wait3A_180 = arith.constant 448 : i32
    %dma_wait3A_181 = arith.constant 0 : i32
    %dma_wait3A_182 = tpu.memref_slice %arg2[%dma_wait3A_179, %add3A_147, %dma_wait3A_180, %dma_wait3A_181] : memref<4x96x512x512xf32, #tpu.memory_space<hbm>> -> memref<1x1x64x512xf32, #tpu.memory_space<hbm>>
    %dma_wait3A_183 = tpu.memref_squeeze %dma_wait3A_182 : memref<1x1x64x512xf32, #tpu.memory_space<hbm>> -> memref<64x512xf32, #tpu.memory_space<hbm>>
    %dma_wait3A_184 = arith.constant 448 : i32
    %dma_wait3A_185 = arith.constant 0 : i32
    %dma_wait3A_186 = tpu.memref_slice %arg2[%dma_wait3A_179, %add3A_147, %dma_wait3A_184, %dma_wait3A_185] : memref<4x96x512x512xf32, #tpu.memory_space<hbm>> -> memref<1x1x64x512xf32, #tpu.memory_space<hbm>>
    %dma_wait3A_187 = tpu.memref_squeeze %dma_wait3A_186 : memref<1x1x64x512xf32, #tpu.memory_space<hbm>> -> memref<64x512xf32, #tpu.memory_space<hbm>>
    tpu.wait_dma2 semaphore(%arg8 : memref<!tpu.dma_semaphore, #tpu.memory_space<semaphore_mem>>) src(%dma_wait3A_187 : memref<64x512xf32, #tpu.memory_space<hbm>>) dst(%arg5 : memref<64x512xf32, #tpu.memory_space<vmem>>)
    %mul3A_188 = arith.constant 3 : i32
    %mul3A_189 = arith.muli %add3A, %mul3A_188 : i32
    %add3A_190 = arith.constant 1 : i32
    %add3A_191 = arith.addi %mul3A_189, %add3A_190 : i32
    %dma_start3A_192 = arith.constant 3 : i32
    %dma_start3A_193 = arith.constant 64 : i32
    %dma_start3A_194 = arith.constant 0 : i32
    %dma_start3A_195 = tpu.memref_slice %arg2[%dma_start3A_192, %add3A_191, %dma_start3A_193, %dma_start3A_194] : memref<4x96x512x512xf32, #tpu.memory_space<hbm>> -> memref<1x1x64x512xf32, #tpu.memory_space<hbm>>
    %dma_start3A_196 = tpu.memref_squeeze %dma_start3A_195 : memref<1x1x64x512xf32, #tpu.memory_space<hbm>> -> memref<64x512xf32, #tpu.memory_space<hbm>>
    %dma_start3A_197 = arith.constant 64 : i32
    %dma_start3A_198 = arith.constant 0 : i32
    %dma_start3A_199 = tpu.memref_slice %arg2[%dma_start3A_192, %add3A_191, %dma_start3A_197, %dma_start3A_198] : memref<4x96x512x512xf32, #tpu.memory_space<hbm>> -> memref<1x1x64x512xf32, #tpu.memory_space<hbm>>
    %dma_start3A_200 = tpu.memref_squeeze %dma_start3A_199 : memref<1x1x64x512xf32, #tpu.memory_space<hbm>> -> memref<64x512xf32, #tpu.memory_space<hbm>>
    tpu.enqueue_dma source(%dma_start3A_200 : memref<64x512xf32, #tpu.memory_space<hbm>>) target(%arg5 : memref<64x512xf32, #tpu.memory_space<vmem>>) target_semaphore(%arg8 : memref<!tpu.dma_semaphore, #tpu.memory_space<semaphore_mem>>)
    %dma_wait3A_201 = arith.constant 3 : i32
    %dma_wait3A_202 = arith.constant 0 : i32
    %dma_wait3A_203 = arith.constant 0 : i32
    %dma_wait3A_204 = tpu.memref_slice %arg2[%dma_wait3A_201, %add3A_169, %dma_wait3A_202, %dma_wait3A_203] : memref<4x96x512x512xf32, #tpu.memory_space<hbm>> -> memref<1x1x64x512xf32, #tpu.memory_space<hbm>>
    %dma_wait3A_205 = tpu.memref_squeeze %dma_wait3A_204 : memref<1x1x64x512xf32, #tpu.memory_space<hbm>> -> memref<64x512xf32, #tpu.memory_space<hbm>>
    %dma_wait3A_206 = arith.constant 0 : i32
    %dma_wait3A_207 = arith.constant 0 : i32
    %dma_wait3A_208 = tpu.memref_slice %arg2[%dma_wait3A_201, %add3A_169, %dma_wait3A_206, %dma_wait3A_207] : memref<4x96x512x512xf32, #tpu.memory_space<hbm>> -> memref<1x1x64x512xf32, #tpu.memory_space<hbm>>
    %dma_wait3A_209 = tpu.memref_squeeze %dma_wait3A_208 : memref<1x1x64x512xf32, #tpu.memory_space<hbm>> -> memref<64x512xf32, #tpu.memory_space<hbm>>
    tpu.wait_dma2 semaphore(%arg7 : memref<!tpu.dma_semaphore, #tpu.memory_space<semaphore_mem>>) src(%dma_wait3A_209 : memref<64x512xf32, #tpu.memory_space<hbm>>) dst(%arg4 : memref<64x512xf32, #tpu.memory_space<vmem>>)
    %mul3A_210 = arith.constant 3 : i32
    %mul3A_211 = arith.muli %add3A, %mul3A_210 : i32
    %add3A_212 = arith.constant 1 : i32
    %add3A_213 = arith.addi %mul3A_211, %add3A_212 : i32
    %dma_start3A_214 = arith.constant 3 : i32
    %dma_start3A_215 = arith.constant 128 : i32
    %dma_start3A_216 = arith.constant 0 : i32
    %dma_start3A_217 = tpu.memref_slice %arg2[%dma_start3A_214, %add3A_213, %dma_start3A_215, %dma_start3A_216] : memref<4x96x512x512xf32, #tpu.memory_space<hbm>> -> memref<1x1x64x512xf32, #tpu.memory_space<hbm>>
    %dma_start3A_218 = tpu.memref_squeeze %dma_start3A_217 : memref<1x1x64x512xf32, #tpu.memory_space<hbm>> -> memref<64x512xf32, #tpu.memory_space<hbm>>
    %dma_start3A_219 = arith.constant 128 : i32
    %dma_start3A_220 = arith.constant 0 : i32
    %dma_start3A_221 = tpu.memref_slice %arg2[%dma_start3A_214, %add3A_213, %dma_start3A_219, %dma_start3A_220] : memref<4x96x512x512xf32, #tpu.memory_space<hbm>> -> memref<1x1x64x512xf32, #tpu.memory_space<hbm>>
    %dma_start3A_222 = tpu.memref_squeeze %dma_start3A_221 : memref<1x1x64x512xf32, #tpu.memory_space<hbm>> -> memref<64x512xf32, #tpu.memory_space<hbm>>
    tpu.enqueue_dma source(%dma_start3A_222 : memref<64x512xf32, #tpu.memory_space<hbm>>) target(%arg4 : memref<64x512xf32, #tpu.memory_space<vmem>>) target_semaphore(%arg7 : memref<!tpu.dma_semaphore, #tpu.memory_space<semaphore_mem>>)
    %dma_wait3A_223 = arith.constant 3 : i32
    %dma_wait3A_224 = arith.constant 64 : i32
    %dma_wait3A_225 = arith.constant 0 : i32
    %dma_wait3A_226 = tpu.memref_slice %arg2[%dma_wait3A_223, %add3A_191, %dma_wait3A_224, %dma_wait3A_225] : memref<4x96x512x512xf32, #tpu.memory_space<hbm>> -> memref<1x1x64x512xf32, #tpu.memory_space<hbm>>
    %dma_wait3A_227 = tpu.memref_squeeze %dma_wait3A_226 : memref<1x1x64x512xf32, #tpu.memory_space<hbm>> -> memref<64x512xf32, #tpu.memory_space<hbm>>
    %dma_wait3A_228 = arith.constant 64 : i32
    %dma_wait3A_229 = arith.constant 0 : i32
    %dma_wait3A_230 = tpu.memref_slice %arg2[%dma_wait3A_223, %add3A_191, %dma_wait3A_228, %dma_wait3A_229] : memref<4x96x512x512xf32, #tpu.memory_space<hbm>> -> memref<1x1x64x512xf32, #tpu.memory_space<hbm>>
    %dma_wait3A_231 = tpu.memref_squeeze %dma_wait3A_230 : memref<1x1x64x512xf32, #tpu.memory_space<hbm>> -> memref<64x512xf32, #tpu.memory_space<hbm>>
    tpu.wait_dma2 semaphore(%arg8 : memref<!tpu.dma_semaphore, #tpu.memory_space<semaphore_mem>>) src(%dma_wait3A_231 : memref<64x512xf32, #tpu.memory_space<hbm>>) dst(%arg5 : memref<64x512xf32, #tpu.memory_space<vmem>>)
    %mul3A_232 = arith.constant 3 : i32
    %mul3A_233 = arith.muli %add3A, %mul3A_232 : i32
    %add3A_234 = arith.constant 1 : i32
    %add3A_235 = arith.addi %mul3A_233, %add3A_234 : i32
    %dma_start3A_236 = arith.constant 3 : i32
    %dma_start3A_237 = arith.constant 192 : i32
    %dma_start3A_238 = arith.constant 0 : i32
    %dma_start3A_239 = tpu.memref_slice %arg2[%dma_start3A_236, %add3A_235, %dma_start3A_237, %dma_start3A_238] : memref<4x96x512x512xf32, #tpu.memory_space<hbm>> -> memref<1x1x64x512xf32, #tpu.memory_space<hbm>>
    %dma_start3A_240 = tpu.memref_squeeze %dma_start3A_239 : memref<1x1x64x512xf32, #tpu.memory_space<hbm>> -> memref<64x512xf32, #tpu.memory_space<hbm>>
    %dma_start3A_241 = arith.constant 192 : i32
    %dma_start3A_242 = arith.constant 0 : i32
    %dma_start3A_243 = tpu.memref_slice %arg2[%dma_start3A_236, %add3A_235, %dma_start3A_241, %dma_start3A_242] : memref<4x96x512x512xf32, #tpu.memory_space<hbm>> -> memref<1x1x64x512xf32, #tpu.memory_space<hbm>>
    %dma_start3A_244 = tpu.memref_squeeze %dma_start3A_243 : memref<1x1x64x512xf32, #tpu.memory_space<hbm>> -> memref<64x512xf32, #tpu.memory_space<hbm>>
    tpu.enqueue_dma source(%dma_start3A_244 : memref<64x512xf32, #tpu.memory_space<hbm>>) target(%arg5 : memref<64x512xf32, #tpu.memory_space<vmem>>) target_semaphore(%arg8 : memref<!tpu.dma_semaphore, #tpu.memory_space<semaphore_mem>>)
    %dma_wait3A_245 = arith.constant 3 : i32
    %dma_wait3A_246 = arith.constant 128 : i32
    %dma_wait3A_247 = arith.constant 0 : i32
    %dma_wait3A_248 = tpu.memref_slice %arg2[%dma_wait3A_245, %add3A_213, %dma_wait3A_246, %dma_wait3A_247] : memref<4x96x512x512xf32, #tpu.memory_space<hbm>> -> memref<1x1x64x512xf32, #tpu.memory_space<hbm>>
    %dma_wait3A_249 = tpu.memref_squeeze %dma_wait3A_248 : memref<1x1x64x512xf32, #tpu.memory_space<hbm>> -> memref<64x512xf32, #tpu.memory_space<hbm>>
    %dma_wait3A_250 = arith.constant 128 : i32
    %dma_wait3A_251 = arith.constant 0 : i32
    %dma_wait3A_252 = tpu.memref_slice %arg2[%dma_wait3A_245, %add3A_213, %dma_wait3A_250, %dma_wait3A_251] : memref<4x96x512x512xf32, #tpu.memory_space<hbm>> -> memref<1x1x64x512xf32, #tpu.memory_space<hbm>>
    %dma_wait3A_253 = tpu.memref_squeeze %dma_wait3A_252 : memref<1x1x64x512xf32, #tpu.memory_space<hbm>> -> memref<64x512xf32, #tpu.memory_space<hbm>>
    tpu.wait_dma2 semaphore(%arg7 : memref<!tpu.dma_semaphore, #tpu.memory_space<semaphore_mem>>) src(%dma_wait3A_253 : memref<64x512xf32, #tpu.memory_space<hbm>>) dst(%arg4 : memref<64x512xf32, #tpu.memory_space<vmem>>)
    %mul3A_254 = arith.constant 3 : i32
    %mul3A_255 = arith.muli %add3A, %mul3A_254 : i32
    %add3A_256 = arith.constant 1 : i32
    %add3A_257 = arith.addi %mul3A_255, %add3A_256 : i32
    %dma_start3A_258 = arith.constant 3 : i32
    %dma_start3A_259 = arith.constant 256 : i32
    %dma_start3A_260 = arith.constant 0 : i32
    %dma_start3A_261 = tpu.memref_slice %arg2[%dma_start3A_258, %add3A_257, %dma_start3A_259, %dma_start3A_260] : memref<4x96x512x512xf32, #tpu.memory_space<hbm>> -> memref<1x1x64x512xf32, #tpu.memory_space<hbm>>
    %dma_start3A_262 = tpu.memref_squeeze %dma_start3A_261 : memref<1x1x64x512xf32, #tpu.memory_space<hbm>> -> memref<64x512xf32, #tpu.memory_space<hbm>>
    %dma_start3A_263 = arith.constant 256 : i32
    %dma_start3A_264 = arith.constant 0 : i32
    %dma_start3A_265 = tpu.memref_slice %arg2[%dma_start3A_258, %add3A_257, %dma_start3A_263, %dma_start3A_264] : memref<4x96x512x512xf32, #tpu.memory_space<hbm>> -> memref<1x1x64x512xf32, #tpu.memory_space<hbm>>
    %dma_start3A_266 = tpu.memref_squeeze %dma_start3A_265 : memref<1x1x64x512xf32, #tpu.memory_space<hbm>> -> memref<64x512xf32, #tpu.memory_space<hbm>>
    tpu.enqueue_dma source(%dma_start3A_266 : memref<64x512xf32, #tpu.memory_space<hbm>>) target(%arg4 : memref<64x512xf32, #tpu.memory_space<vmem>>) target_semaphore(%arg7 : memref<!tpu.dma_semaphore, #tpu.memory_space<semaphore_mem>>)
    %dma_wait3A_267 = arith.constant 3 : i32
    %dma_wait3A_268 = arith.constant 192 : i32
    %dma_wait3A_269 = arith.constant 0 : i32
    %dma_wait3A_270 = tpu.memref_slice %arg2[%dma_wait3A_267, %add3A_235, %dma_wait3A_268, %dma_wait3A_269] : memref<4x96x512x512xf32, #tpu.memory_space<hbm>> -> memref<1x1x64x512xf32, #tpu.memory_space<hbm>>
    %dma_wait3A_271 = tpu.memref_squeeze %dma_wait3A_270 : memref<1x1x64x512xf32, #tpu.memory_space<hbm>> -> memref<64x512xf32, #tpu.memory_space<hbm>>
    %dma_wait3A_272 = arith.constant 192 : i32
    %dma_wait3A_273 = arith.constant 0 : i32
    %dma_wait3A_274 = tpu.memref_slice %arg2[%dma_wait3A_267, %add3A_235, %dma_wait3A_272, %dma_wait3A_273] : memref<4x96x512x512xf32, #tpu.memory_space<hbm>> -> memref<1x1x64x512xf32, #tpu.memory_space<hbm>>
    %dma_wait3A_275 = tpu.memref_squeeze %dma_wait3A_274 : memref<1x1x64x512xf32, #tpu.memory_space<hbm>> -> memref<64x512xf32, #tpu.memory_space<hbm>>
    tpu.wait_dma2 semaphore(%arg8 : memref<!tpu.dma_semaphore, #tpu.memory_space<semaphore_mem>>) src(%dma_wait3A_275 : memref<64x512xf32, #tpu.memory_space<hbm>>) dst(%arg5 : memref<64x512xf32, #tpu.memory_space<vmem>>)
    %mul3A_276 = arith.constant 3 : i32
    %mul3A_277 = arith.muli %add3A, %mul3A_276 : i32
    %add3A_278 = arith.constant 1 : i32
    %add3A_279 = arith.addi %mul3A_277, %add3A_278 : i32
    %dma_start3A_280 = arith.constant 3 : i32
    %dma_start3A_281 = arith.constant 320 : i32
    %dma_start3A_282 = arith.constant 0 : i32
    %dma_start3A_283 = tpu.memref_slice %arg2[%dma_start3A_280, %add3A_279, %dma_start3A_281, %dma_start3A_282] : memref<4x96x512x512xf32, #tpu.memory_space<hbm>> -> memref<1x1x64x512xf32, #tpu.memory_space<hbm>>
    %dma_start3A_284 = tpu.memref_squeeze %dma_start3A_283 : memref<1x1x64x512xf32, #tpu.memory_space<hbm>> -> memref<64x512xf32, #tpu.memory_space<hbm>>
    %dma_start3A_285 = arith.constant 320 : i32
    %dma_start3A_286 = arith.constant 0 : i32
    %dma_start3A_287 = tpu.memref_slice %arg2[%dma_start3A_280, %add3A_279, %dma_start3A_285, %dma_start3A_286] : memref<4x96x512x512xf32, #tpu.memory_space<hbm>> -> memref<1x1x64x512xf32, #tpu.memory_space<hbm>>
    %dma_start3A_288 = tpu.memref_squeeze %dma_start3A_287 : memref<1x1x64x512xf32, #tpu.memory_space<hbm>> -> memref<64x512xf32, #tpu.memory_space<hbm>>
    tpu.enqueue_dma source(%dma_start3A_288 : memref<64x512xf32, #tpu.memory_space<hbm>>) target(%arg5 : memref<64x512xf32, #tpu.memory_space<vmem>>) target_semaphore(%arg8 : memref<!tpu.dma_semaphore, #tpu.memory_space<semaphore_mem>>)
    %dma_wait3A_289 = arith.constant 3 : i32
    %dma_wait3A_290 = arith.constant 256 : i32
    %dma_wait3A_291 = arith.constant 0 : i32
    %dma_wait3A_292 = tpu.memref_slice %arg2[%dma_wait3A_289, %add3A_257, %dma_wait3A_290, %dma_wait3A_291] : memref<4x96x512x512xf32, #tpu.memory_space<hbm>> -> memref<1x1x64x512xf32, #tpu.memory_space<hbm>>
    %dma_wait3A_293 = tpu.memref_squeeze %dma_wait3A_292 : memref<1x1x64x512xf32, #tpu.memory_space<hbm>> -> memref<64x512xf32, #tpu.memory_space<hbm>>
    %dma_wait3A_294 = arith.constant 256 : i32
    %dma_wait3A_295 = arith.constant 0 : i32
    %dma_wait3A_296 = tpu.memref_slice %arg2[%dma_wait3A_289, %add3A_257, %dma_wait3A_294, %dma_wait3A_295] : memref<4x96x512x512xf32, #tpu.memory_space<hbm>> -> memref<1x1x64x512xf32, #tpu.memory_space<hbm>>
    %dma_wait3A_297 = tpu.memref_squeeze %dma_wait3A_296 : memref<1x1x64x512xf32, #tpu.memory_space<hbm>> -> memref<64x512xf32, #tpu.memory_space<hbm>>
    tpu.wait_dma2 semaphore(%arg7 : memref<!tpu.dma_semaphore, #tpu.memory_space<semaphore_mem>>) src(%dma_wait3A_297 : memref<64x512xf32, #tpu.memory_space<hbm>>) dst(%arg4 : memref<64x512xf32, #tpu.memory_space<vmem>>)
    %mul3A_298 = arith.constant 3 : i32
    %mul3A_299 = arith.muli %add3A, %mul3A_298 : i32
    %add3A_300 = arith.constant 1 : i32
    %add3A_301 = arith.addi %mul3A_299, %add3A_300 : i32
    %dma_start3A_302 = arith.constant 3 : i32
    %dma_start3A_303 = arith.constant 384 : i32
    %dma_start3A_304 = arith.constant 0 : i32
    %dma_start3A_305 = tpu.memref_slice %arg2[%dma_start3A_302, %add3A_301, %dma_start3A_303, %dma_start3A_304] : memref<4x96x512x512xf32, #tpu.memory_space<hbm>> -> memref<1x1x64x512xf32, #tpu.memory_space<hbm>>
    %dma_start3A_306 = tpu.memref_squeeze %dma_start3A_305 : memref<1x1x64x512xf32, #tpu.memory_space<hbm>> -> memref<64x512xf32, #tpu.memory_space<hbm>>
    %dma_start3A_307 = arith.constant 384 : i32
    %dma_start3A_308 = arith.constant 0 : i32
    %dma_start3A_309 = tpu.memref_slice %arg2[%dma_start3A_302, %add3A_301, %dma_start3A_307, %dma_start3A_308] : memref<4x96x512x512xf32, #tpu.memory_space<hbm>> -> memref<1x1x64x512xf32, #tpu.memory_space<hbm>>
    %dma_start3A_310 = tpu.memref_squeeze %dma_start3A_309 : memref<1x1x64x512xf32, #tpu.memory_space<hbm>> -> memref<64x512xf32, #tpu.memory_space<hbm>>
    tpu.enqueue_dma source(%dma_start3A_310 : memref<64x512xf32, #tpu.memory_space<hbm>>) target(%arg4 : memref<64x512xf32, #tpu.memory_space<vmem>>) target_semaphore(%arg7 : memref<!tpu.dma_semaphore, #tpu.memory_space<semaphore_mem>>)
    %dma_wait3A_311 = arith.constant 3 : i32
    %dma_wait3A_312 = arith.constant 320 : i32
    %dma_wait3A_313 = arith.constant 0 : i32
    %dma_wait3A_314 = tpu.memref_slice %arg2[%dma_wait3A_311, %add3A_279, %dma_wait3A_312, %dma_wait3A_313] : memref<4x96x512x512xf32, #tpu.memory_space<hbm>> -> memref<1x1x64x512xf32, #tpu.memory_space<hbm>>
    %dma_wait3A_315 = tpu.memref_squeeze %dma_wait3A_314 : memref<1x1x64x512xf32, #tpu.memory_space<hbm>> -> memref<64x512xf32, #tpu.memory_space<hbm>>
    %dma_wait3A_316 = arith.constant 320 : i32
    %dma_wait3A_317 = arith.constant 0 : i32
    %dma_wait3A_318 = tpu.memref_slice %arg2[%dma_wait3A_311, %add3A_279, %dma_wait3A_316, %dma_wait3A_317] : memref<4x96x512x512xf32, #tpu.memory_space<hbm>> -> memref<1x1x64x512xf32, #tpu.memory_space<hbm>>
    %dma_wait3A_319 = tpu.memref_squeeze %dma_wait3A_318 : memref<1x1x64x512xf32, #tpu.memory_space<hbm>> -> memref<64x512xf32, #tpu.memory_space<hbm>>
    tpu.wait_dma2 semaphore(%arg8 : memref<!tpu.dma_semaphore, #tpu.memory_space<semaphore_mem>>) src(%dma_wait3A_319 : memref<64x512xf32, #tpu.memory_space<hbm>>) dst(%arg5 : memref<64x512xf32, #tpu.memory_space<vmem>>)
    %mul3A_320 = arith.constant 3 : i32
    %mul3A_321 = arith.muli %add3A, %mul3A_320 : i32
    %add3A_322 = arith.constant 1 : i32
    %add3A_323 = arith.addi %mul3A_321, %add3A_322 : i32
    %dma_start3A_324 = arith.constant 3 : i32
    %dma_start3A_325 = arith.constant 448 : i32
    %dma_start3A_326 = arith.constant 0 : i32
    %dma_start3A_327 = tpu.memref_slice %arg2[%dma_start3A_324, %add3A_323, %dma_start3A_325, %dma_start3A_326] : memref<4x96x512x512xf32, #tpu.memory_space<hbm>> -> memref<1x1x64x512xf32, #tpu.memory_space<hbm>>
    %dma_start3A_328 = tpu.memref_squeeze %dma_start3A_327 : memref<1x1x64x512xf32, #tpu.memory_space<hbm>> -> memref<64x512xf32, #tpu.memory_space<hbm>>
    %dma_start3A_329 = arith.constant 448 : i32
    %dma_start3A_330 = arith.constant 0 : i32
    %dma_start3A_331 = tpu.memref_slice %arg2[%dma_start3A_324, %add3A_323, %dma_start3A_329, %dma_start3A_330] : memref<4x96x512x512xf32, #tpu.memory_space<hbm>> -> memref<1x1x64x512xf32, #tpu.memory_space<hbm>>
    %dma_start3A_332 = tpu.memref_squeeze %dma_start3A_331 : memref<1x1x64x512xf32, #tpu.memory_space<hbm>> -> memref<64x512xf32, #tpu.memory_space<hbm>>
    tpu.enqueue_dma source(%dma_start3A_332 : memref<64x512xf32, #tpu.memory_space<hbm>>) target(%arg5 : memref<64x512xf32, #tpu.memory_space<vmem>>) target_semaphore(%arg8 : memref<!tpu.dma_semaphore, #tpu.memory_space<semaphore_mem>>)
    %dma_wait3A_333 = arith.constant 3 : i32
    %dma_wait3A_334 = arith.constant 384 : i32
    %dma_wait3A_335 = arith.constant 0 : i32
    %dma_wait3A_336 = tpu.memref_slice %arg2[%dma_wait3A_333, %add3A_301, %dma_wait3A_334, %dma_wait3A_335] : memref<4x96x512x512xf32, #tpu.memory_space<hbm>> -> memref<1x1x64x512xf32, #tpu.memory_space<hbm>>
    %dma_wait3A_337 = tpu.memref_squeeze %dma_wait3A_336 : memref<1x1x64x512xf32, #tpu.memory_space<hbm>> -> memref<64x512xf32, #tpu.memory_space<hbm>>
    %dma_wait3A_338 = arith.constant 384 : i32
    %dma_wait3A_339 = arith.constant 0 : i32
    %dma_wait3A_340 = tpu.memref_slice %arg2[%dma_wait3A_333, %add3A_301, %dma_wait3A_338, %dma_wait3A_339] : memref<4x96x512x512xf32, #tpu.memory_space<hbm>> -> memref<1x1x64x512xf32, #tpu.memory_space<hbm>>
    %dma_wait3A_341 = tpu.memref_squeeze %dma_wait3A_340 : memref<1x1x64x512xf32, #tpu.memory_space<hbm>> -> memref<64x512xf32, #tpu.memory_space<hbm>>
    tpu.wait_dma2 semaphore(%arg7 : memref<!tpu.dma_semaphore, #tpu.memory_space<semaphore_mem>>) src(%dma_wait3A_341 : memref<64x512xf32, #tpu.memory_space<hbm>>) dst(%arg4 : memref<64x512xf32, #tpu.memory_space<vmem>>)
    %mul3A_342 = arith.constant 3 : i32
    %mul3A_343 = arith.muli %add3A, %mul3A_342 : i32
    %add3A_344 = arith.constant 2 : i32
    %add3A_345 = arith.addi %mul3A_343, %add3A_344 : i32
    %dma_start3A_346 = arith.constant 3 : i32
    %dma_start3A_347 = arith.constant 0 : i32
    %dma_start3A_348 = arith.constant 0 : i32
    %dma_start3A_349 = tpu.memref_slice %arg2[%dma_start3A_346, %add3A_345, %dma_start3A_347, %dma_start3A_348] : memref<4x96x512x512xf32, #tpu.memory_space<hbm>> -> memref<1x1x64x512xf32, #tpu.memory_space<hbm>>
    %dma_start3A_350 = tpu.memref_squeeze %dma_start3A_349 : memref<1x1x64x512xf32, #tpu.memory_space<hbm>> -> memref<64x512xf32, #tpu.memory_space<hbm>>
    %dma_start3A_351 = arith.constant 0 : i32
    %dma_start3A_352 = arith.constant 0 : i32
    %dma_start3A_353 = tpu.memref_slice %arg2[%dma_start3A_346, %add3A_345, %dma_start3A_351, %dma_start3A_352] : memref<4x96x512x512xf32, #tpu.memory_space<hbm>> -> memref<1x1x64x512xf32, #tpu.memory_space<hbm>>
    %dma_start3A_354 = tpu.memref_squeeze %dma_start3A_353 : memref<1x1x64x512xf32, #tpu.memory_space<hbm>> -> memref<64x512xf32, #tpu.memory_space<hbm>>
    tpu.enqueue_dma source(%dma_start3A_354 : memref<64x512xf32, #tpu.memory_space<hbm>>) target(%arg4 : memref<64x512xf32, #tpu.memory_space<vmem>>) target_semaphore(%arg7 : memref<!tpu.dma_semaphore, #tpu.memory_space<semaphore_mem>>)
    %dma_wait3A_355 = arith.constant 3 : i32
    %dma_wait3A_356 = arith.constant 448 : i32
    %dma_wait3A_357 = arith.constant 0 : i32
    %dma_wait3A_358 = tpu.memref_slice %arg2[%dma_wait3A_355, %add3A_323, %dma_wait3A_356, %dma_wait3A_357] : memref<4x96x512x512xf32, #tpu.memory_space<hbm>> -> memref<1x1x64x512xf32, #tpu.memory_space<hbm>>
    %dma_wait3A_359 = tpu.memref_squeeze %dma_wait3A_358 : memref<1x1x64x512xf32, #tpu.memory_space<hbm>> -> memref<64x512xf32, #tpu.memory_space<hbm>>
    %dma_wait3A_360 = arith.constant 448 : i32
    %dma_wait3A_361 = arith.constant 0 : i32
    %dma_wait3A_362 = tpu.memref_slice %arg2[%dma_wait3A_355, %add3A_323, %dma_wait3A_360, %dma_wait3A_361] : memref<4x96x512x512xf32, #tpu.memory_space<hbm>> -> memref<1x1x64x512xf32, #tpu.memory_space<hbm>>
    %dma_wait3A_363 = tpu.memref_squeeze %dma_wait3A_362 : memref<1x1x64x512xf32, #tpu.memory_space<hbm>> -> memref<64x512xf32, #tpu.memory_space<hbm>>
    tpu.wait_dma2 semaphore(%arg8 : memref<!tpu.dma_semaphore, #tpu.memory_space<semaphore_mem>>) src(%dma_wait3A_363 : memref<64x512xf32, #tpu.memory_space<hbm>>) dst(%arg5 : memref<64x512xf32, #tpu.memory_space<vmem>>)
    %mul3A_364 = arith.constant 3 : i32
    %mul3A_365 = arith.muli %add3A, %mul3A_364 : i32
    %add3A_366 = arith.constant 2 : i32
    %add3A_367 = arith.addi %mul3A_365, %add3A_366 : i32
    %dma_start3A_368 = arith.constant 3 : i32
    %dma_start3A_369 = arith.constant 64 : i32
    %dma_start3A_370 = arith.constant 0 : i32
    %dma_start3A_371 = tpu.memref_slice %arg2[%dma_start3A_368, %add3A_367, %dma_start3A_369, %dma_start3A_370] : memref<4x96x512x512xf32, #tpu.memory_space<hbm>> -> memref<1x1x64x512xf32, #tpu.memory_space<hbm>>
    %dma_start3A_372 = tpu.memref_squeeze %dma_start3A_371 : memref<1x1x64x512xf32, #tpu.memory_space<hbm>> -> memref<64x512xf32, #tpu.memory_space<hbm>>
    %dma_start3A_373 = arith.constant 64 : i32
    %dma_start3A_374 = arith.constant 0 : i32
    %dma_start3A_375 = tpu.memref_slice %arg2[%dma_start3A_368, %add3A_367, %dma_start3A_373, %dma_start3A_374] : memref<4x96x512x512xf32, #tpu.memory_space<hbm>> -> memref<1x1x64x512xf32, #tpu.memory_space<hbm>>
    %dma_start3A_376 = tpu.memref_squeeze %dma_start3A_375 : memref<1x1x64x512xf32, #tpu.memory_space<hbm>> -> memref<64x512xf32, #tpu.memory_space<hbm>>
    tpu.enqueue_dma source(%dma_start3A_376 : memref<64x512xf32, #tpu.memory_space<hbm>>) target(%arg5 : memref<64x512xf32, #tpu.memory_space<vmem>>) target_semaphore(%arg8 : memref<!tpu.dma_semaphore, #tpu.memory_space<semaphore_mem>>)
    %dma_wait3A_377 = arith.constant 3 : i32
    %dma_wait3A_378 = arith.constant 0 : i32
    %dma_wait3A_379 = arith.constant 0 : i32
    %dma_wait3A_380 = tpu.memref_slice %arg2[%dma_wait3A_377, %add3A_345, %dma_wait3A_378, %dma_wait3A_379] : memref<4x96x512x512xf32, #tpu.memory_space<hbm>> -> memref<1x1x64x512xf32, #tpu.memory_space<hbm>>
    %dma_wait3A_381 = tpu.memref_squeeze %dma_wait3A_380 : memref<1x1x64x512xf32, #tpu.memory_space<hbm>> -> memref<64x512xf32, #tpu.memory_space<hbm>>
    %dma_wait3A_382 = arith.constant 0 : i32
    %dma_wait3A_383 = arith.constant 0 : i32
    %dma_wait3A_384 = tpu.memref_slice %arg2[%dma_wait3A_377, %add3A_345, %dma_wait3A_382, %dma_wait3A_383] : memref<4x96x512x512xf32, #tpu.memory_space<hbm>> -> memref<1x1x64x512xf32, #tpu.memory_space<hbm>>
    %dma_wait3A_385 = tpu.memref_squeeze %dma_wait3A_384 : memref<1x1x64x512xf32, #tpu.memory_space<hbm>> -> memref<64x512xf32, #tpu.memory_space<hbm>>
    tpu.wait_dma2 semaphore(%arg7 : memref<!tpu.dma_semaphore, #tpu.memory_space<semaphore_mem>>) src(%dma_wait3A_385 : memref<64x512xf32, #tpu.memory_space<hbm>>) dst(%arg4 : memref<64x512xf32, #tpu.memory_space<vmem>>)
    %mul3A_386 = arith.constant 3 : i32
    %mul3A_387 = arith.muli %add3A, %mul3A_386 : i32
    %add3A_388 = arith.constant 2 : i32
    %add3A_389 = arith.addi %mul3A_387, %add3A_388 : i32
    %dma_start3A_390 = arith.constant 3 : i32
    %dma_start3A_391 = arith.constant 128 : i32
    %dma_start3A_392 = arith.constant 0 : i32
    %dma_start3A_393 = tpu.memref_slice %arg2[%dma_start3A_390, %add3A_389, %dma_start3A_391, %dma_start3A_392] : memref<4x96x512x512xf32, #tpu.memory_space<hbm>> -> memref<1x1x64x512xf32, #tpu.memory_space<hbm>>
    %dma_start3A_394 = tpu.memref_squeeze %dma_start3A_393 : memref<1x1x64x512xf32, #tpu.memory_space<hbm>> -> memref<64x512xf32, #tpu.memory_space<hbm>>
    %dma_start3A_395 = arith.constant 128 : i32
    %dma_start3A_396 = arith.constant 0 : i32
    %dma_start3A_397 = tpu.memref_slice %arg2[%dma_start3A_390, %add3A_389, %dma_start3A_395, %dma_start3A_396] : memref<4x96x512x512xf32, #tpu.memory_space<hbm>> -> memref<1x1x64x512xf32, #tpu.memory_space<hbm>>
    %dma_start3A_398 = tpu.memref_squeeze %dma_start3A_397 : memref<1x1x64x512xf32, #tpu.memory_space<hbm>> -> memref<64x512xf32, #tpu.memory_space<hbm>>
    tpu.enqueue_dma source(%dma_start3A_398 : memref<64x512xf32, #tpu.memory_space<hbm>>) target(%arg4 : memref<64x512xf32, #tpu.memory_space<vmem>>) target_semaphore(%arg7 : memref<!tpu.dma_semaphore, #tpu.memory_space<semaphore_mem>>)
    %dma_wait3A_399 = arith.constant 3 : i32
    %dma_wait3A_400 = arith.constant 64 : i32
    %dma_wait3A_401 = arith.constant 0 : i32
    %dma_wait3A_402 = tpu.memref_slice %arg2[%dma_wait3A_399, %add3A_367, %dma_wait3A_400, %dma_wait3A_401] : memref<4x96x512x512xf32, #tpu.memory_space<hbm>> -> memref<1x1x64x512xf32, #tpu.memory_space<hbm>>
    %dma_wait3A_403 = tpu.memref_squeeze %dma_wait3A_402 : memref<1x1x64x512xf32, #tpu.memory_space<hbm>> -> memref<64x512xf32, #tpu.memory_space<hbm>>
    %dma_wait3A_404 = arith.constant 64 : i32
    %dma_wait3A_405 = arith.constant 0 : i32
    %dma_wait3A_406 = tpu.memref_slice %arg2[%dma_wait3A_399, %add3A_367, %dma_wait3A_404, %dma_wait3A_405] : memref<4x96x512x512xf32, #tpu.memory_space<hbm>> -> memref<1x1x64x512xf32, #tpu.memory_space<hbm>>
    %dma_wait3A_407 = tpu.memref_squeeze %dma_wait3A_406 : memref<1x1x64x512xf32, #tpu.memory_space<hbm>> -> memref<64x512xf32, #tpu.memory_space<hbm>>
    tpu.wait_dma2 semaphore(%arg8 : memref<!tpu.dma_semaphore, #tpu.memory_space<semaphore_mem>>) src(%dma_wait3A_407 : memref<64x512xf32, #tpu.memory_space<hbm>>) dst(%arg5 : memref<64x512xf32, #tpu.memory_space<vmem>>)
    %mul3A_408 = arith.constant 3 : i32
    %mul3A_409 = arith.muli %add3A, %mul3A_408 : i32
    %add3A_410 = arith.constant 2 : i32
    %add3A_411 = arith.addi %mul3A_409, %add3A_410 : i32
    %dma_start3A_412 = arith.constant 3 : i32
    %dma_start3A_413 = arith.constant 192 : i32
    %dma_start3A_414 = arith.constant 0 : i32
    %dma_start3A_415 = tpu.memref_slice %arg2[%dma_start3A_412, %add3A_411, %dma_start3A_413, %dma_start3A_414] : memref<4x96x512x512xf32, #tpu.memory_space<hbm>> -> memref<1x1x64x512xf32, #tpu.memory_space<hbm>>
    %dma_start3A_416 = tpu.memref_squeeze %dma_start3A_415 : memref<1x1x64x512xf32, #tpu.memory_space<hbm>> -> memref<64x512xf32, #tpu.memory_space<hbm>>
    %dma_start3A_417 = arith.constant 192 : i32
    %dma_start3A_418 = arith.constant 0 : i32
    %dma_start3A_419 = tpu.memref_slice %arg2[%dma_start3A_412, %add3A_411, %dma_start3A_417, %dma_start3A_418] : memref<4x96x512x512xf32, #tpu.memory_space<hbm>> -> memref<1x1x64x512xf32, #tpu.memory_space<hbm>>
    %dma_start3A_420 = tpu.memref_squeeze %dma_start3A_419 : memref<1x1x64x512xf32, #tpu.memory_space<hbm>> -> memref<64x512xf32, #tpu.memory_space<hbm>>
    tpu.enqueue_dma source(%dma_start3A_420 : memref<64x512xf32, #tpu.memory_space<hbm>>) target(%arg5 : memref<64x512xf32, #tpu.memory_space<vmem>>) target_semaphore(%arg8 : memref<!tpu.dma_semaphore, #tpu.memory_space<semaphore_mem>>)
    %dma_wait3A_421 = arith.constant 3 : i32
    %dma_wait3A_422 = arith.constant 128 : i32
    %dma_wait3A_423 = arith.constant 0 : i32
    %dma_wait3A_424 = tpu.memref_slice %arg2[%dma_wait3A_421, %add3A_389, %dma_wait3A_422, %dma_wait3A_423] : memref<4x96x512x512xf32, #tpu.memory_space<hbm>> -> memref<1x1x64x512xf32, #tpu.memory_space<hbm>>
    %dma_wait3A_425 = tpu.memref_squeeze %dma_wait3A_424 : memref<1x1x64x512xf32, #tpu.memory_space<hbm>> -> memref<64x512xf32, #tpu.memory_space<hbm>>
    %dma_wait3A_426 = arith.constant 128 : i32
    %dma_wait3A_427 = arith.constant 0 : i32
    %dma_wait3A_428 = tpu.memref_slice %arg2[%dma_wait3A_421, %add3A_389, %dma_wait3A_426, %dma_wait3A_427] : memref<4x96x512x512xf32, #tpu.memory_space<hbm>> -> memref<1x1x64x512xf32, #tpu.memory_space<hbm>>
    %dma_wait3A_429 = tpu.memref_squeeze %dma_wait3A_428 : memref<1x1x64x512xf32, #tpu.memory_space<hbm>> -> memref<64x512xf32, #tpu.memory_space<hbm>>
    tpu.wait_dma2 semaphore(%arg7 : memref<!tpu.dma_semaphore, #tpu.memory_space<semaphore_mem>>) src(%dma_wait3A_429 : memref<64x512xf32, #tpu.memory_space<hbm>>) dst(%arg4 : memref<64x512xf32, #tpu.memory_space<vmem>>)
    %mul3A_430 = arith.constant 3 : i32
    %mul3A_431 = arith.muli %add3A, %mul3A_430 : i32
    %add3A_432 = arith.constant 2 : i32
    %add3A_433 = arith.addi %mul3A_431, %add3A_432 : i32
    %dma_start3A_434 = arith.constant 3 : i32
    %dma_start3A_435 = arith.constant 256 : i32
    %dma_start3A_436 = arith.constant 0 : i32
    %dma_start3A_437 = tpu.memref_slice %arg2[%dma_start3A_434, %add3A_433, %dma_start3A_435, %dma_start3A_436] : memref<4x96x512x512xf32, #tpu.memory_space<hbm>> -> memref<1x1x64x512xf32, #tpu.memory_space<hbm>>
    %dma_start3A_438 = tpu.memref_squeeze %dma_start3A_437 : memref<1x1x64x512xf32, #tpu.memory_space<hbm>> -> memref<64x512xf32, #tpu.memory_space<hbm>>
    %dma_start3A_439 = arith.constant 256 : i32
    %dma_start3A_440 = arith.constant 0 : i32
    %dma_start3A_441 = tpu.memref_slice %arg2[%dma_start3A_434, %add3A_433, %dma_start3A_439, %dma_start3A_440] : memref<4x96x512x512xf32, #tpu.memory_space<hbm>> -> memref<1x1x64x512xf32, #tpu.memory_space<hbm>>
    %dma_start3A_442 = tpu.memref_squeeze %dma_start3A_441 : memref<1x1x64x512xf32, #tpu.memory_space<hbm>> -> memref<64x512xf32, #tpu.memory_space<hbm>>
    tpu.enqueue_dma source(%dma_start3A_442 : memref<64x512xf32, #tpu.memory_space<hbm>>) target(%arg4 : memref<64x512xf32, #tpu.memory_space<vmem>>) target_semaphore(%arg7 : memref<!tpu.dma_semaphore, #tpu.memory_space<semaphore_mem>>)
    %dma_wait3A_443 = arith.constant 3 : i32
    %dma_wait3A_444 = arith.constant 192 : i32
    %dma_wait3A_445 = arith.constant 0 : i32
    %dma_wait3A_446 = tpu.memref_slice %arg2[%dma_wait3A_443, %add3A_411, %dma_wait3A_444, %dma_wait3A_445] : memref<4x96x512x512xf32, #tpu.memory_space<hbm>> -> memref<1x1x64x512xf32, #tpu.memory_space<hbm>>
    %dma_wait3A_447 = tpu.memref_squeeze %dma_wait3A_446 : memref<1x1x64x512xf32, #tpu.memory_space<hbm>> -> memref<64x512xf32, #tpu.memory_space<hbm>>
    %dma_wait3A_448 = arith.constant 192 : i32
    %dma_wait3A_449 = arith.constant 0 : i32
    %dma_wait3A_450 = tpu.memref_slice %arg2[%dma_wait3A_443, %add3A_411, %dma_wait3A_448, %dma_wait3A_449] : memref<4x96x512x512xf32, #tpu.memory_space<hbm>> -> memref<1x1x64x512xf32, #tpu.memory_space<hbm>>
    %dma_wait3A_451 = tpu.memref_squeeze %dma_wait3A_450 : memref<1x1x64x512xf32, #tpu.memory_space<hbm>> -> memref<64x512xf32, #tpu.memory_space<hbm>>
    tpu.wait_dma2 semaphore(%arg8 : memref<!tpu.dma_semaphore, #tpu.memory_space<semaphore_mem>>) src(%dma_wait3A_451 : memref<64x512xf32, #tpu.memory_space<hbm>>) dst(%arg5 : memref<64x512xf32, #tpu.memory_space<vmem>>)
    %mul3A_452 = arith.constant 3 : i32
    %mul3A_453 = arith.muli %add3A, %mul3A_452 : i32
    %add3A_454 = arith.constant 2 : i32
    %add3A_455 = arith.addi %mul3A_453, %add3A_454 : i32
    %dma_start3A_456 = arith.constant 3 : i32
    %dma_start3A_457 = arith.constant 320 : i32
    %dma_start3A_458 = arith.constant 0 : i32
    %dma_start3A_459 = tpu.memref_slice %arg2[%dma_start3A_456, %add3A_455, %dma_start3A_457, %dma_start3A_458] : memref<4x96x512x512xf32, #tpu.memory_space<hbm>> -> memref<1x1x64x512xf32, #tpu.memory_space<hbm>>
    %dma_start3A_460 = tpu.memref_squeeze %dma_start3A_459 : memref<1x1x64x512xf32, #tpu.memory_space<hbm>> -> memref<64x512xf32, #tpu.memory_space<hbm>>
    %dma_start3A_461 = arith.constant 320 : i32
    %dma_start3A_462 = arith.constant 0 : i32
    %dma_start3A_463 = tpu.memref_slice %arg2[%dma_start3A_456, %add3A_455, %dma_start3A_461, %dma_start3A_462] : memref<4x96x512x512xf32, #tpu.memory_space<hbm>> -> memref<1x1x64x512xf32, #tpu.memory_space<hbm>>
    %dma_start3A_464 = tpu.memref_squeeze %dma_start3A_463 : memref<1x1x64x512xf32, #tpu.memory_space<hbm>> -> memref<64x512xf32, #tpu.memory_space<hbm>>
    tpu.enqueue_dma source(%dma_start3A_464 : memref<64x512xf32, #tpu.memory_space<hbm>>) target(%arg5 : memref<64x512xf32, #tpu.memory_space<vmem>>) target_semaphore(%arg8 : memref<!tpu.dma_semaphore, #tpu.memory_space<semaphore_mem>>)
    %dma_wait3A_465 = arith.constant 3 : i32
    %dma_wait3A_466 = arith.constant 256 : i32
    %dma_wait3A_467 = arith.constant 0 : i32
    %dma_wait3A_468 = tpu.memref_slice %arg2[%dma_wait3A_465, %add3A_433, %dma_wait3A_466, %dma_wait3A_467] : memref<4x96x512x512xf32, #tpu.memory_space<hbm>> -> memref<1x1x64x512xf32, #tpu.memory_space<hbm>>
    %dma_wait3A_469 = tpu.memref_squeeze %dma_wait3A_468 : memref<1x1x64x512xf32, #tpu.memory_space<hbm>> -> memref<64x512xf32, #tpu.memory_space<hbm>>
    %dma_wait3A_470 = arith.constant 256 : i32
    %dma_wait3A_471 = arith.constant 0 : i32
    %dma_wait3A_472 = tpu.memref_slice %arg2[%dma_wait3A_465, %add3A_433, %dma_wait3A_470, %dma_wait3A_471] : memref<4x96x512x512xf32, #tpu.memory_space<hbm>> -> memref<1x1x64x512xf32, #tpu.memory_space<hbm>>
    %dma_wait3A_473 = tpu.memref_squeeze %dma_wait3A_472 : memref<1x1x64x512xf32, #tpu.memory_space<hbm>> -> memref<64x512xf32, #tpu.memory_space<hbm>>
    tpu.wait_dma2 semaphore(%arg7 : memref<!tpu.dma_semaphore, #tpu.memory_space<semaphore_mem>>) src(%dma_wait3A_473 : memref<64x512xf32, #tpu.memory_space<hbm>>) dst(%arg4 : memref<64x512xf32, #tpu.memory_space<vmem>>)
    %mul3A_474 = arith.constant 3 : i32
    %mul3A_475 = arith.muli %add3A, %mul3A_474 : i32
    %add3A_476 = arith.constant 2 : i32
    %add3A_477 = arith.addi %mul3A_475, %add3A_476 : i32
    %dma_start3A_478 = arith.constant 3 : i32
    %dma_start3A_479 = arith.constant 384 : i32
    %dma_start3A_480 = arith.constant 0 : i32
    %dma_start3A_481 = tpu.memref_slice %arg2[%dma_start3A_478, %add3A_477, %dma_start3A_479, %dma_start3A_480] : memref<4x96x512x512xf32, #tpu.memory_space<hbm>> -> memref<1x1x64x512xf32, #tpu.memory_space<hbm>>
    %dma_start3A_482 = tpu.memref_squeeze %dma_start3A_481 : memref<1x1x64x512xf32, #tpu.memory_space<hbm>> -> memref<64x512xf32, #tpu.memory_space<hbm>>
    %dma_start3A_483 = arith.constant 384 : i32
    %dma_start3A_484 = arith.constant 0 : i32
    %dma_start3A_485 = tpu.memref_slice %arg2[%dma_start3A_478, %add3A_477, %dma_start3A_483, %dma_start3A_484] : memref<4x96x512x512xf32, #tpu.memory_space<hbm>> -> memref<1x1x64x512xf32, #tpu.memory_space<hbm>>
    %dma_start3A_486 = tpu.memref_squeeze %dma_start3A_485 : memref<1x1x64x512xf32, #tpu.memory_space<hbm>> -> memref<64x512xf32, #tpu.memory_space<hbm>>
    tpu.enqueue_dma source(%dma_start3A_486 : memref<64x512xf32, #tpu.memory_space<hbm>>) target(%arg4 : memref<64x512xf32, #tpu.memory_space<vmem>>) target_semaphore(%arg7 : memref<!tpu.dma_semaphore, #tpu.memory_space<semaphore_mem>>)
    %dma_wait3A_487 = arith.constant 3 : i32
    %dma_wait3A_488 = arith.constant 320 : i32
    %dma_wait3A_489 = arith.constant 0 : i32
    %dma_wait3A_490 = tpu.memref_slice %arg2[%dma_wait3A_487, %add3A_455, %dma_wait3A_488, %dma_wait3A_489] : memref<4x96x512x512xf32, #tpu.memory_space<hbm>> -> memref<1x1x64x512xf32, #tpu.memory_space<hbm>>
    %dma_wait3A_491 = tpu.memref_squeeze %dma_wait3A_490 : memref<1x1x64x512xf32, #tpu.memory_space<hbm>> -> memref<64x512xf32, #tpu.memory_space<hbm>>
    %dma_wait3A_492 = arith.constant 320 : i32
    %dma_wait3A_493 = arith.constant 0 : i32
    %dma_wait3A_494 = tpu.memref_slice %arg2[%dma_wait3A_487, %add3A_455, %dma_wait3A_492, %dma_wait3A_493] : memref<4x96x512x512xf32, #tpu.memory_space<hbm>> -> memref<1x1x64x512xf32, #tpu.memory_space<hbm>>
    %dma_wait3A_495 = tpu.memref_squeeze %dma_wait3A_494 : memref<1x1x64x512xf32, #tpu.memory_space<hbm>> -> memref<64x512xf32, #tpu.memory_space<hbm>>
    tpu.wait_dma2 semaphore(%arg8 : memref<!tpu.dma_semaphore, #tpu.memory_space<semaphore_mem>>) src(%dma_wait3A_495 : memref<64x512xf32, #tpu.memory_space<hbm>>) dst(%arg5 : memref<64x512xf32, #tpu.memory_space<vmem>>)
    %mul3A_496 = arith.constant 3 : i32
    %mul3A_497 = arith.muli %add3A, %mul3A_496 : i32
    %add3A_498 = arith.constant 2 : i32
    %add3A_499 = arith.addi %mul3A_497, %add3A_498 : i32
    %dma_start3A_500 = arith.constant 3 : i32
    %dma_start3A_501 = arith.constant 448 : i32
    %dma_start3A_502 = arith.constant 0 : i32
    %dma_start3A_503 = tpu.memref_slice %arg2[%dma_start3A_500, %add3A_499, %dma_start3A_501, %dma_start3A_502] : memref<4x96x512x512xf32, #tpu.memory_space<hbm>> -> memref<1x1x64x512xf32, #tpu.memory_space<hbm>>
    %dma_start3A_504 = tpu.memref_squeeze %dma_start3A_503 : memref<1x1x64x512xf32, #tpu.memory_space<hbm>> -> memref<64x512xf32, #tpu.memory_space<hbm>>
    %dma_start3A_505 = arith.constant 448 : i32
    %dma_start3A_506 = arith.constant 0 : i32
    %dma_start3A_507 = tpu.memref_slice %arg2[%dma_start3A_500, %add3A_499, %dma_start3A_505, %dma_start3A_506] : memref<4x96x512x512xf32, #tpu.memory_space<hbm>> -> memref<1x1x64x512xf32, #tpu.memory_space<hbm>>
    %dma_start3A_508 = tpu.memref_squeeze %dma_start3A_507 : memref<1x1x64x512xf32, #tpu.memory_space<hbm>> -> memref<64x512xf32, #tpu.memory_space<hbm>>
    tpu.enqueue_dma source(%dma_start3A_508 : memref<64x512xf32, #tpu.memory_space<hbm>>) target(%arg5 : memref<64x512xf32, #tpu.memory_space<vmem>>) target_semaphore(%arg8 : memref<!tpu.dma_semaphore, #tpu.memory_space<semaphore_mem>>)
    %dma_wait3A_509 = arith.constant 3 : i32
    %dma_wait3A_510 = arith.constant 384 : i32
    %dma_wait3A_511 = arith.constant 0 : i32
    %dma_wait3A_512 = tpu.memref_slice %arg2[%dma_wait3A_509, %add3A_477, %dma_wait3A_510, %dma_wait3A_511] : memref<4x96x512x512xf32, #tpu.memory_space<hbm>> -> memref<1x1x64x512xf32, #tpu.memory_space<hbm>>
    %dma_wait3A_513 = tpu.memref_squeeze %dma_wait3A_512 : memref<1x1x64x512xf32, #tpu.memory_space<hbm>> -> memref<64x512xf32, #tpu.memory_space<hbm>>
    %dma_wait3A_514 = arith.constant 384 : i32
    %dma_wait3A_515 = arith.constant 0 : i32
    %dma_wait3A_516 = tpu.memref_slice %arg2[%dma_wait3A_509, %add3A_477, %dma_wait3A_514, %dma_wait3A_515] : memref<4x96x512x512xf32, #tpu.memory_space<hbm>> -> memref<1x1x64x512xf32, #tpu.memory_space<hbm>>
    %dma_wait3A_517 = tpu.memref_squeeze %dma_wait3A_516 : memref<1x1x64x512xf32, #tpu.memory_space<hbm>> -> memref<64x512xf32, #tpu.memory_space<hbm>>
    tpu.wait_dma2 semaphore(%arg7 : memref<!tpu.dma_semaphore, #tpu.memory_space<semaphore_mem>>) src(%dma_wait3A_517 : memref<64x512xf32, #tpu.memory_space<hbm>>) dst(%arg4 : memref<64x512xf32, #tpu.memory_space<vmem>>)
    %dma_wait3A_518 = arith.constant 3 : i32
    %dma_wait3A_519 = arith.constant 448 : i32
    %dma_wait3A_520 = arith.constant 0 : i32
    %dma_wait3A_521 = tpu.memref_slice %arg2[%dma_wait3A_518, %add3A_499, %dma_wait3A_519, %dma_wait3A_520] : memref<4x96x512x512xf32, #tpu.memory_space<hbm>> -> memref<1x1x64x512xf32, #tpu.memory_space<hbm>>
    %dma_wait3A_522 = tpu.memref_squeeze %dma_wait3A_521 : memref<1x1x64x512xf32, #tpu.memory_space<hbm>> -> memref<64x512xf32, #tpu.memory_space<hbm>>
    %dma_wait3A_523 = arith.constant 448 : i32
    %dma_wait3A_524 = arith.constant 0 : i32
    %dma_wait3A_525 = tpu.memref_slice %arg2[%dma_wait3A_518, %add3A_499, %dma_wait3A_523, %dma_wait3A_524] : memref<4x96x512x512xf32, #tpu.memory_space<hbm>> -> memref<1x1x64x512xf32, #tpu.memory_space<hbm>>
    %dma_wait3A_526 = tpu.memref_squeeze %dma_wait3A_525 : memref<1x1x64x512xf32, #tpu.memory_space<hbm>> -> memref<64x512xf32, #tpu.memory_space<hbm>>
    tpu.wait_dma2 semaphore(%arg8 : memref<!tpu.dma_semaphore, #tpu.memory_space<semaphore_mem>>) src(%dma_wait3A_526 : memref<64x512xf32, #tpu.memory_space<hbm>>) dst(%arg5 : memref<64x512xf32, #tpu.memory_space<vmem>>)
    %broadcast_in_dim3A = arith.constant 0.000000e+00 : f32
    %broadcast_in_dim3A_527 = vector.broadcast %broadcast_in_dim3A : f32 to vector<16xf32>
    %swap3A = arith.constant 0 : index
    %swap3A_528 = tpu.vector_load %arg6[%swap3A] {strides = array<i32>} : memref<16xf32, #tpu.memory_space<vmem>>, vector<16xf32>,
    %swap3A_529 = vector.shape_cast %swap3A_528 : vector<16xf32> to vector<16xf32>
    %swap3A_530 = vector.shape_cast %broadcast_in_dim3A_527 : vector<16xf32> to vector<16xf32>
    tpu.vector_store %arg6[%swap3A], %swap3A_530 {strides = array<i32>} : memref<16xf32, #tpu.memory_space<vmem>>, vector<16xf32>,
    %mul3A_531 = arith.constant 16 : i32
    %mul3A_532 = arith.muli %add3A, %mul3A_531 : i32
    "tpu.region"() ({
      %run_scoped3A = tpu.sem_alloc : memref<!tpu.dma_semaphore, #tpu.memory_space<semaphore_mem>>
      %dma_start3A_533 = tpu.memref_slice %arg3[%mul3A_532] : memref<512xf32, #tpu.memory_space<hbm>> -> memref<16xf32, #tpu.memory_space<hbm>>
      %dma_start3A_534 = tpu.memref_slice %arg3[%mul3A_532] : memref<512xf32, #tpu.memory_space<hbm>> -> memref<16xf32, #tpu.memory_space<hbm>>
      tpu.enqueue_dma source(%arg6 : memref<16xf32, #tpu.memory_space<vmem>>) target(%dma_start3A_534 : memref<16xf32, #tpu.memory_space<hbm>>) target_semaphore(%run_scoped3A : memref<!tpu.dma_semaphore, #tpu.memory_space<semaphore_mem>>)
      %dma_wait3A_535 = tpu.memref_slice %arg3[%mul3A_532] : memref<512xf32, #tpu.memory_space<hbm>> -> memref<16xf32, #tpu.memory_space<hbm>>
      %dma_wait3A_536 = tpu.memref_slice %arg3[%mul3A_532] : memref<512xf32, #tpu.memory_space<hbm>> -> memref<16xf32, #tpu.memory_space<hbm>>
      tpu.wait_dma2 semaphore(%run_scoped3A : memref<!tpu.dma_semaphore, #tpu.memory_space<semaphore_mem>>) src(%arg6 : memref<16xf32, #tpu.memory_space<vmem>>) dst(%dma_wait3A_536 : memref<16xf32, #tpu.memory_space<hbm>>)
      tpu.yield
    }) : () -> ()
    return
  }
}

module attributes {stable_mosaic.version = 14 : i64} {
  func.func @_lambda_(%arg0: memref<8x128xf32, #tpu.memory_space<vmem>>, %arg1: memref<8x128xf32, #tpu.memory_space<vmem>>) attributes {dimension_semantics = [], scalar_prefetch = 0 : i64, scratch_operands = 0 : i64, tpu.core_type = #tpu.core_type<tc>} {
    %get3A = arith.constant 0 : index
    %get3A_0 = arith.constant 0 : index
    %get3A_1 = vector.load %arg0[%get3A, %get3A_0] : memref<8x128xf32, #tpu.memory_space<vmem>>, vector<8x128xf32>
    %swap3A = arith.constant 0 : index
    %swap3A_2 = arith.constant 0 : index
    %swap3A_3 = vector.load %arg1[%swap3A, %swap3A_2] : memref<8x128xf32, #tpu.memory_space<vmem>>, vector<8x128xf32>
    tpu.vector_store %arg1[%swap3A, %swap3A_2], %get3A_1 {strides = array<i32>} : memref<8x128xf32, #tpu.memory_space<vmem>>, vector<8x128xf32>,
    return
  }
}

</mosaic_0001>

<sc_bundles>
// kernel: kernel.4.cloned.1.call-start
scs
__scs_entry_jumppad:
0x0: {  	(pc) =	sbr.rel $0x88, $3  }
0x1: {  	(tag) =	ssettag $0x0;
	lr =	simm.s32 $0x1  }
0x2: {  	[smem:$0x3F9F] =	sst lr;
	_ =	strace $0xD0000000  }
0x3: {  	_ = 	snop  }
0x4: {  	_ = 	snop  }
0x5: {  	_ = 	snop  }
0x6: {  	_ = 	snop  }
0x7: {  	_ = 	snop  }
__scs_overlays_trampoline_lowered:
0x8: {  	[smem:$0x3FAE] =	sst s0  }
0x9: {  	[smem:$0x3FAF] =	sst s1  }
0xa: {  	[smem:$0x3FB0] =	sst s2  }
0xb: {  	[smem:$0x3FB1] =	sst s3  }
0xc: {  	[smem:$0x3FB2] =	sst s4  }
0xd: {  	[smem:$0x3FB3] =	sst s5  }
0xe: {  	[smem:$0x3FB4] =	sst s6  }
0xf: {  	[smem:$0x3FB5] =	sst s7  }
0x10: {  	[smem:$0x3FB6] =	sst s8  }
0x11: {  	[smem:$0x3FB7] =	sst s9;
	s0 =	simm.s32 @!p0 $0x0  }
0x12: {  	s1 =	sld [smem:$0x3F9D];
	s0 =	simm.s32 @p0 $0x1  }
0x13: {  	[smem:$0x3FB8] =	sst s0;
	s0 =	simm.s32 @!p1 $0x0  }
0x14: {  	s2 =	sld [smem:$0x3F9C];
	s0 =	simm.s32 @p1 $0x1  }
0x15: {  	[smem:$0x3FB9] =	sst s0;
	s0 =	simm.s32 @!p2 $0x0  }
0x16: {  	s3 =	sld [smem:$0x3FDB];
	s0 =	simm.s32 @p2 $0x1  }
0x17: {  	s4 =	simm.s32 $0x1BF5;
	[smem:$0x3FBB] =	sst s0  }
0x18: {  	s0 =	sld [smem:$0x3F9E];
	_ =	swait.ge [sflag:s4], $0x0  }
0x19: {  	s7 =	sld [smem:$0x3F9F]  }
0x1a: {  	s8 =	sadd.s32 $0xFFFFE003, lr  }
0x1b: {  	s9 =	sadd.s32 $0xFFFFFEF7, lr;
	s5 =	simm.s32 $0xFFFFFFFF;
	p2 =	slt.u32 s8, $0xFFFFF086  }
0x1c: {  	p1 =	slt.u32 s9, $0xF7A;
	s5 =	simm.s32 @!p2 $0x0  }
0x1d: {  	s5 =	simm.s32 @p1 $0x1;
	p0 =	seq.s32 s7, s2  }
0x1e: {  	s7 =	smul.u32 @!p0 $0xF7A, s2;
	p2 =	seq.s32 @!p0 s5, $0x0  }
0x1f: {  	s9 =	smul.u32 $0xF7A, s1;
	s8 =	simm.s32 @!p0 $0x1BF5;
	p2 =	por !p2, p0  }
0x20: {  	[sflag:s8] =	ssyncset.s32 @!p0 $0xFFFFF086;
	s6 =	sadd.s32 @!p0 s3, s7;
	s7 =	simm.s32 @!p0 $0x108  }
0x21: {  	s3 =	sadd.s32 s3, s9;
	s6 =	sadd.s32 @!p0 $0x88, s6;
	s7 =	simm.s32 @p2 $0x1082  }
0x22: {  	[simem:s7], [sflag:s8] =	dma.local @!p0 [hbm:s6], $0xF7A  }
0x23: {  	s9 =	sor.u32 $0xD0000000, s2;
	s6 =	simm.s32 $0x108;
	_ =	swait.ge @!p0 [sflag:s8], $0x0  }
0x24: {  	s3 =	sadd.s32 $0x88, s3;
	s6 =	simm.s32 @!p1 $0x1082;
	[sflag:s4] =	ssyncset.s32 $0xFFFFF086  }
0x25: {  	[simem:s6], [sflag:s4] =	dma.local [hbm:s3], $0xF7A  }
0x26: {  	[smem:$0x3F9F] =	sst s1;
	(tag) =	ssettag s2;
	_ =	strace s9  }
0x27: {  	s1 =	sld [smem:$0x3FAF]  }
0x28: {  	s2 =	sld [smem:$0x3FB0]  }
0x29: {  	s4 =	sld [smem:$0x3FB2]  }
0x2a: {  	p0 =	seq.s32 s5, $0x0;
	s5 =	sld [smem:$0x3FB3]  }
0x2b: {  	s6 =	sld [smem:$0x3FB4]  }
0x2c: {  	s7 =	sld [smem:$0x3FB5]  }
0x2d: {  	s3 =	simm.s32 $0x108;
	s8 =	sld [smem:$0x3FB6]  }
0x2e: {  	s3 =	simm.s32 @!p0 $0x1082;
	s9 =	sld [smem:$0x3FB7]  }
0x2f: {  	lr =	sadd.s32 s0, s3;
	s0 =	sld [smem:$0x3FAE]  }
0x30: {  	s3 =	sld [smem:$0x3FB1]  }
0x31: {  	[smem:$0x3FBA] =	sst s10  }
0x32: {  	s10 =	sld [smem:$0x3FB8];
	_ =	sdelay $0x3  }
0x33: {  	p0 =	seq.s32 s10, $0x1;
	s10 =	sld [smem:$0x3FBA];
	_ =	sdelay $0x3  }
0x34: {  	[smem:$0x3FBA] =	sst s10  }
0x35: {  	s10 =	sld [smem:$0x3FB9];
	_ =	sdelay $0x3  }
0x36: {  	p1 =	seq.s32 s10, $0x1;
	s10 =	sld [smem:$0x3FBA];
	_ =	sdelay $0x3  }
0x37: {  	[smem:$0x3FBA] =	sst s10  }
0x38: {  	s10 =	sld [smem:$0x3FBB]  }
0x39: {  	_ = 	snop;
	(pc) =	sbr.ind lr, $3  }
0x3a: {  	_ = 	snop  }
0x3b: {  	_ = 	snop  }
0x3c: {  	p2 =	seq.s32 s10, $0x1;
	s10 =	sld [smem:$0x3FBA]  }
0x3d: {  	_ =	shalt  }
0x3e: {  	_ =	shalt  }
0x3f: {  	_ =	shalt  }
0x40: {  	_ =	shalt  }
0x41: {  	_ =	shalt  }
0x42: {  	_ =	shalt  }
0x43: {  	_ =	shalt  }
0x44: {  	_ =	shalt  }
0x45: {  	_ =	shalt  }
0x46: {  	_ =	shalt  }
0x47: {  	_ =	shalt  }
0x48: {  	_ =	shalt  }
0x49: {  	_ =	shalt  }
0x4a: {  	_ =	shalt  }
0x4b: {  	_ =	shalt  }
0x4c: {  	_ =	shalt  }
0x4d: {  	_ =	shalt  }
0x4e: {  	_ =	shalt  }
0x4f: {  	_ =	shalt  }
0x50: {  	_ =	shalt  }
0x51: {  	_ =	shalt  }
0x52: {  	_ =	shalt  }
0x53: {  	_ =	shalt  }
0x54: {  	_ =	shalt  }
0x55: {  	_ =	shalt  }
0x56: {  	_ =	shalt  }
0x57: {  	_ =	shalt  }
0x58: {  	_ =	shalt  }
0x59: {  	_ =	shalt  }
0x5a: {  	_ =	shalt  }
0x5b: {  	_ =	shalt  }
0x5c: {  	_ =	shalt  }
0x5d: {  	_ =	shalt  }
0x5e: {  	_ =	shalt  }
0x5f: {  	_ =	shalt  }
0x60: {  	_ =	shalt  }
0x61: {  	_ =	shalt  }
0x62: {  	_ =	shalt  }
0x63: {  	_ =	shalt  }
0x64: {  	_ =	shalt  }
0x65: {  	_ =	shalt  }
0x66: {  	_ =	shalt  }
0x67: {  	_ =	shalt  }
0x68: {  	_ =	shalt  }
0x69: {  	_ =	shalt  }
0x6a: {  	_ =	shalt  }
0x6b: {  	_ =	shalt  }
0x6c: {  	_ =	shalt  }
0x6d: {  	_ =	shalt  }
0x6e: {  	_ =	shalt  }
0x6f: {  	_ =	shalt  }
0x70: {  	_ =	shalt  }
0x71: {  	_ =	shalt  }
0x72: {  	_ =	shalt  }
0x73: {  	_ =	shalt  }
0x74: {  	_ =	shalt  }
0x75: {  	_ =	shalt  }
0x76: {  	_ =	shalt  }
0x77: {  	_ =	shalt  }
0x78: {  	_ =	shalt  }
0x79: {  	_ =	shalt  }
0x7a: {  	_ =	shalt  }
0x7b: {  	_ =	shalt  }
0x7c: {  	_ =	shalt  }
0x7d: {  	_ =	shalt  }
0x7e: {  	_ =	shalt  }
0x7f: {  	_ =	shalt  }
0x80: {  	_ =	shalt  }
0x81: {  	_ =	shalt  }
0x82: {  	_ =	shalt  }
0x83: {  	_ =	shalt  }
0x84: {  	_ =	shalt  }
0x85: {  	_ =	shalt  }
0x86: {  	_ =	shalt  }
0x87: {  	_ =	shalt  }
.Lfunc_end0:
.L_simem_size_0:
called_computation_lowered:
.L_overlay_start_0:
0x88: {  	s2 =	sld [smem:$0x3FD9]  }
0x89: {  	s3 =	sld [smem:$0x3FFE];
	_ =	sdelay $0x1  }
0x8a: {  	s1 =	srdreg.scid  }
0x8b: {  	s0 =	sand.u32 $0x1, s1  }
0x8c: {  	s17 =	sshll.u32 s0, $0xA;
	s2 =	sadd.s32 s3, s2  }
0x8d: {  	s2 =	sadd.s32 s2, s17  }
0x8e: {  	[smem:$0x3FC6] =	sst s2  }
0x8f: {  	_ = 	snop  }
0x90: {  	s2 =	sld [smem:$0x3FC9];
	(tm) =	ssettm $0x1  }
0x91: {  	s18 =	sld [smem:$0x3FFB];
	_ =	sdelay $0x3  }
0x92: {  	_ =	strace s18  }
0x93: {  	s3 =	sld [smem:$0x3FFC];
	_ =	sdelay $0x3  }
0x94: {  	_ =	strace s3  }
0x95: {  	s3 =	sld [smem:$0x3FFD];
	_ =	sdelay $0x3  }
0x96: {  	_ =	strace s3  }
0x97: {  	_ =	strace $0x8FFFFFFF  }
0x98: {  	s19 =	sld [smem:$0x3FDB];
	_ =	sdelay $0x1  }
0x99: {  	s4 =	simm.s32 $_scs_section_size  }
0x9a: {  	s5 =	simm.s32 $_size__tile_overlayer_lowered;
	s6 =	simm.s32 $_tile_overlayer_lowered  }
0x9b: {  	s22 =	simm.s32 $0x1BFF;
	s21 =	sshll.u32 s6, $0x1;
	s3 =	sadd.s32 s4, s19  }
0x9c: {  	s7 =	simm.s32 $0x0;
	s20 =	sshll.u32 s5, $0x1;
	s5 =	sadd.s32 s21, s3  }
0x9d: {  	[timem:s7], [sflag:s22] =	dma.local [hbm:s5], s20  }
0x9e: {  	_ =	swait.ge [sflag:s22], s20  }
0x9f: {  	s4 =	ssub.s32 $0x0, s20;
	[sflag:s22] =	ssyncset.done $0x0  }
0xa0: {  	[sflag:s22] =	ssyncadd.s32 s4;
	_ =	sdelay $0x1  }
0xa1: {  	s23 =	simm.s32 $0x1B8B  }
0xa2: {  	_ =	swait.ge [sflag:s23], $0x1  }
0xa3: {  	[sflag:s23] =	ssyncset.done $0x0  }
0xa4: {  	s25 =	simm.s32 $0x1B8E;
	s24 =	sld [smem:$0x3FFE];
	[sflag:s23] =	ssyncadd.s32 $0xFFFFFFFF  }
0xa5: {  	s26 =	simm.s32 $execute0_lowered;
	[smem:$0x3FD2] =	sst s25  }
0xa6: {  	s5 =	sshll.u32 s26, $0x1;
	_ =	strace $0x80000046;
	[dreg:$0x1] =	wrdreg $0xFFFFFFFF  }
0xa7: {  	s28 =	simm.s32 $_size_execute0_lowered;
	s3 =	sadd.s32 s3, s5;
	[dreg:$0x0] =	wrdreg $0x0  }
0xa8: {  	s5 =	sshll.u32 s28, $0x1;
	[dreg:$0x2] =	wrdreg s3  }
0xa9: {  	[dreg:$0x3] =	wrdreg s5  }
0xaa: {  	[dreg:$0x4] =	wrdreg $0xC0  }
0xab: {  	_ =	task [dreg:s7], $0x5FFFF  }
0xac: {  	[dreg:$0x1] =	wrdreg $0xFFFFFFFF  }
0xad: {  	[dreg:$0x0] =	wrdreg $0x60  }
0xae: {  	[dreg:$0x2] =	wrdreg s2  }
0xaf: {  	[dreg:$0x3] =	wrdreg s24  }
0xb0: {  	[dreg:$0x4] =	wrdreg $0x9  }
0xb1: {  	_ =	task.clear_ibuf [dreg:s7], $0x5FFFF;
	_ =	strace $0x90000046  }
0xb2: {  	s29 =	simm.s32 $0x9;
	_ =	strace $0x80000048  }
0xb3: {  	_ =	swait.ge [sflag:s29], $0x1  }
0xb4: {  	[sflag:s29] =	ssyncadd.s32 $0xFFFFFFFF  }
0xb5: {  	_ =	strace $0x90000048  }
0xb6: {  	_ =	sfence  }
0xb7: {  	s30 =	sld [smem:$0x0];
	_ =	sdelay $0x2  }
0xb8: {  	s31 =	sshll.u32 s1, $0xD;
	s1 =	sshrl.u32 s1, $0x2  }
0xb9: {  	s3 =	sand.u32 $0x4000, s31;
	s1 =	sadd.s32 s1, s30  }
0xba: {  	s0 =	sor.u32 s3, s0;
	s1 =	sshll.u32 s1, $0x11  }
0xbb: {  	s0 =	sor.u32 s1, s0  }
0xbc: {  	s0 =	sadd.s32 $0x8F2B, s0  }
0xbd: {  	[sflag:s0] =	ssyncadd.remote.s32 $0x1  }
0xbe: {  	_ =	sfence.sel $0xFFFF  }
0xbf: {  	[dreg:$0x0] =	wrdreg $0xFFFFFFFF;
	(pc) =	sbr.abs _section_cstart, $3  }
0xc0: {  	[dreg:$0x1] =	wrdreg $0xFFFFFFFF  }
0xc1: {  	_ =	task.clear_ibuf [dreg:s7], $0x2FFFF;
	_ =	strace $0x9FFFFFFF  }
0xc2: {  	(tm) =	ssettm $0x7FFFFFFF  }
0xc3: {  	_ =	shalt  }
tec
execute0_lowered:
.L_overlay_start_1:
0x0: {  	(tag) =	ssettag $0x1  }
0x1: {  	s1 =	srdreg.scid;
	s0 =	stileid.u32  }
0x2: {  	s30 =	sand.u32 $0x1, s1;
	s26 =	sshll.u32 s0, $0x1  }
0x3: {  	s29 =	sor.u32 s30, s26  }
0x4: {  	s4 =	smul.u32 $0xC0000, s29;
	_ =	sdelay $0x1  }
0x5: {  	s3 =	rddreg [dreg:$0x0];
	s4 =	sshrl.u32 s4, $0x3  }
0x6: {  	s2 =	simm.s32 $0x0;
	s0 =	rddreg [dreg:$0x1];
	s28 =	sadd.s32 s3, s4  }
0x7: {  	[smem:$0x7FF] =	sst s2;
	s3 =	sadd.s32 $0x900000, s28  }
0x8: {  	_ =	strace $0x80000047;
	s25 =	sadd.s32 $0x901000, s28;
	[dreg:$0x3] =	wrdreg s3  }
0x9: {  	[dreg:$0x4] =	wrdreg s25  }
0xa: {  	s26 =	rddreg [dreg:$0x3]  }
0xb: {  	[tilespmem:s2], [sflag:$0x1] =	stream.linear.gather [hbm4b:s26+s2], $0x8000, $0x38;
	[tilespmem:$0x10080] =	vst v63  }
0xc: {  	s4 =	simm.s32 $0x1;
	s3 =	simm.s32 $0x8000;
	s5 =	rddreg [dreg:$0x4]  }
0xd: {  	[tilespmem:s3], [sflag:$0x2] =	stream.linear.gather [hbm4b:s5+s2], $0x8000, $0x38;
	[tilespmem:$0x10080] =	vst v63  }
0xe: {  	_ =	swait.ge [sflag:s4], $0x8000  }
0xf: {  	[sflag:s4] =	ssyncset.done $0x0  }
0x10: {  	s6 =	simm.s32 $0x2;
	s5 =	sadd.s32 $0x902000, s28;
	[sflag:s4] =	ssyncadd.s32 $0xFFFF8000  }
0x11: {  	[tilespmem:s2], [sflag:$0x1] =	stream.linear.gather [hbm4b:s5+s2], $0x8000, $0x38;
	[tilespmem:$0x10080] =	vst v63  }
0x12: {  	_ =	swait.ge [sflag:s6], $0x8000  }
0x13: {  	[sflag:s6] =	ssyncset.done $0x0  }
0x14: {  	s7 =	sadd.s32 $0x903000, s28;
	[sflag:s6] =	ssyncadd.s32 $0xFFFF8000  }
0x15: {  	[tilespmem:s3], [sflag:$0x2] =	stream.linear.gather [hbm4b:s7+s2], $0x8000, $0x38;
	[tilespmem:$0x10080] =	vst v63  }
0x16: {  	_ =	swait.ge [sflag:s4], $0x8000  }
0x17: {  	[sflag:s4] =	ssyncset.done $0x0  }
0x18: {  	s8 =	sadd.s32 $0x904000, s28;
	[sflag:s4] =	ssyncadd.s32 $0xFFFF8000  }
0x19: {  	[tilespmem:s2], [sflag:$0x1] =	stream.linear.gather [hbm4b:s8+s2], $0x8000, $0x38;
	[tilespmem:$0x10080] =	vst v63  }
0x1a: {  	_ =	swait.ge [sflag:s6], $0x8000  }
0x1b: {  	[sflag:s6] =	ssyncset.done $0x0  }
0x1c: {  	s9 =	sadd.s32 $0x905000, s28;
	[sflag:s6] =	ssyncadd.s32 $0xFFFF8000  }
0x1d: {  	[tilespmem:s3], [sflag:$0x2] =	stream.linear.gather [hbm4b:s9+s2], $0x8000, $0x38;
	[tilespmem:$0x10080] =	vst v63  }
0x1e: {  	_ =	swait.ge [sflag:s4], $0x8000  }
0x1f: {  	[sflag:s4] =	ssyncset.done $0x0  }
0x20: {  	s10 =	sadd.s32 $0x906000, s28;
	[sflag:s4] =	ssyncadd.s32 $0xFFFF8000  }
0x21: {  	[tilespmem:s2], [sflag:$0x1] =	stream.linear.gather [hbm4b:s10+s2], $0x8000, $0x38;
	[tilespmem:$0x10080] =	vst v63  }
0x22: {  	_ =	swait.ge [sflag:s6], $0x8000  }
0x23: {  	[sflag:s6] =	ssyncset.done $0x0  }
0x24: {  	s11 =	sadd.s32 $0x907000, s28;
	[sflag:s6] =	ssyncadd.s32 $0xFFFF8000  }
0x25: {  	[tilespmem:s3], [sflag:$0x2] =	stream.linear.gather [hbm4b:s11+s2], $0x8000, $0x38;
	[tilespmem:$0x10080] =	vst v63  }
0x26: {  	_ =	swait.ge [sflag:s4], $0x8000  }
0x27: {  	[sflag:s4] =	ssyncset.done $0x0  }
0x28: {  	s12 =	sadd.s32 $0x908000, s28;
	[sflag:s4] =	ssyncadd.s32 $0xFFFF8000  }
0x29: {  	[tilespmem:s2], [sflag:$0x1] =	stream.linear.gather [hbm4b:s12+s2], $0x8000, $0x38;
	[tilespmem:$0x10080] =	vst v63  }
0x2a: {  	_ =	swait.ge [sflag:s6], $0x8000  }
0x2b: {  	[sflag:s6] =	ssyncset.done $0x0  }
0x2c: {  	s13 =	sadd.s32 $0x909000, s28;
	[sflag:s6] =	ssyncadd.s32 $0xFFFF8000  }
0x2d: {  	[tilespmem:s3], [sflag:$0x2] =	stream.linear.gather [hbm4b:s13+s2], $0x8000, $0x38;
	[tilespmem:$0x10080] =	vst v63  }
0x2e: {  	_ =	swait.ge [sflag:s4], $0x8000  }
0x2f: {  	[sflag:s4] =	ssyncset.done $0x0  }
0x30: {  	s14 =	sadd.s32 $0x90A000, s28;
	[sflag:s4] =	ssyncadd.s32 $0xFFFF8000  }
0x31: {  	[tilespmem:s2], [sflag:$0x1] =	stream.linear.gather [hbm4b:s14+s2], $0x8000, $0x38;
	[tilespmem:$0x10080] =	vst v63  }
0x32: {  	_ =	swait.ge [sflag:s6], $0x8000  }
0x33: {  	[sflag:s6] =	ssyncset.done $0x0  }
0x34: {  	s15 =	sadd.s32 $0x90B000, s28;
	[sflag:s6] =	ssyncadd.s32 $0xFFFF8000  }
0x35: {  	[tilespmem:s3], [sflag:$0x2] =	stream.linear.gather [hbm4b:s15+s2], $0x8000, $0x38;
	[tilespmem:$0x10080] =	vst v63  }
0x36: {  	_ =	swait.ge [sflag:s4], $0x8000  }
0x37: {  	[sflag:s4] =	ssyncset.done $0x0  }
0x38: {  	s16 =	sadd.s32 $0x90C000, s28;
	[sflag:s4] =	ssyncadd.s32 $0xFFFF8000  }
0x39: {  	[tilespmem:s2], [sflag:$0x1] =	stream.linear.gather [hbm4b:s16+s2], $0x8000, $0x38;
	[tilespmem:$0x10080] =	vst v63  }
0x3a: {  	_ =	swait.ge [sflag:s6], $0x8000  }
0x3b: {  	[sflag:s6] =	ssyncset.done $0x0  }
0x3c: {  	s17 =	sadd.s32 $0x90D000, s28;
	[sflag:s6] =	ssyncadd.s32 $0xFFFF8000  }
0x3d: {  	[tilespmem:s3], [sflag:$0x2] =	stream.linear.gather [hbm4b:s17+s2], $0x8000, $0x38;
	[tilespmem:$0x10080] =	vst v63  }
0x3e: {  	_ =	swait.ge [sflag:s4], $0x8000  }
0x3f: {  	[sflag:s4] =	ssyncset.done $0x0  }
0x40: {  	s18 =	sadd.s32 $0x90E000, s28;
	[sflag:s4] =	ssyncadd.s32 $0xFFFF8000  }
0x41: {  	[tilespmem:s2], [sflag:$0x1] =	stream.linear.gather [hbm4b:s18+s2], $0x8000, $0x38;
	[tilespmem:$0x10080] =	vst v63  }
0x42: {  	_ =	swait.ge [sflag:s6], $0x8000  }
0x43: {  	[sflag:s6] =	ssyncset.done $0x0  }
0x44: {  	s19 =	sadd.s32 $0x90F000, s28;
	[sflag:s6] =	ssyncadd.s32 $0xFFFF8000  }
0x45: {  	[tilespmem:s3], [sflag:$0x2] =	stream.linear.gather [hbm4b:s19+s2], $0x8000, $0x38;
	[tilespmem:$0x10080] =	vst v63  }
0x46: {  	_ =	swait.ge [sflag:s4], $0x8000  }
0x47: {  	[sflag:s4] =	ssyncset.done $0x0  }
0x48: {  	s20 =	sadd.s32 $0x910000, s28;
	[sflag:s4] =	ssyncadd.s32 $0xFFFF8000  }
0x49: {  	[tilespmem:s2], [sflag:$0x1] =	stream.linear.gather [hbm4b:s20+s2], $0x8000, $0x38;
	[tilespmem:$0x10080] =	vst v63  }
0x4a: {  	_ =	swait.ge [sflag:s6], $0x8000  }
0x4b: {  	[sflag:s6] =	ssyncset.done $0x0  }
0x4c: {  	s21 =	sadd.s32 $0x911000, s28;
	[sflag:s6] =	ssyncadd.s32 $0xFFFF8000  }
0x4d: {  	[tilespmem:s3], [sflag:$0x2] =	stream.linear.gather [hbm4b:s21+s2], $0x8000, $0x38;
	[tilespmem:$0x10080] =	vst v63  }
0x4e: {  	_ =	swait.ge [sflag:s4], $0x8000  }
0x4f: {  	[sflag:s4] =	ssyncset.done $0x0  }
0x50: {  	s22 =	sadd.s32 $0x912000, s28;
	[sflag:s4] =	ssyncadd.s32 $0xFFFF8000  }
0x51: {  	[tilespmem:s2], [sflag:$0x1] =	stream.linear.gather [hbm4b:s22+s2], $0x8000, $0x38;
	[tilespmem:$0x10080] =	vst v63  }
0x52: {  	_ =	swait.ge [sflag:s6], $0x8000  }
0x53: {  	[sflag:s6] =	ssyncset.done $0x0  }
0x54: {  	s23 =	sadd.s32 $0x913000, s28;
	[sflag:s6] =	ssyncadd.s32 $0xFFFF8000  }
0x55: {  	[tilespmem:s3], [sflag:$0x2] =	stream.linear.gather [hbm4b:s23+s2], $0x8000, $0x38;
	[tilespmem:$0x10080] =	vst v63  }
0x56: {  	_ =	swait.ge [sflag:s4], $0x8000  }
0x57: {  	[sflag:s4] =	ssyncset.done $0x0  }
0x58: {  	s24 =	sadd.s32 $0x914000, s28;
	[sflag:s4] =	ssyncadd.s32 $0xFFFF8000  }
0x59: {  	[tilespmem:s2], [sflag:$0x1] =	stream.linear.gather [hbm4b:s24+s2], $0x8000, $0x38;
	[tilespmem:$0x10080] =	vst v63  }
0x5a: {  	_ =	swait.ge [sflag:s6], $0x8000  }
0x5b: {  	[sflag:s6] =	ssyncset.done $0x0  }
0x5c: {  	s25 =	sadd.s32 $0x915000, s28;
	[sflag:s6] =	ssyncadd.s32 $0xFFFF8000  }
0x5d: {  	[tilespmem:s3], [sflag:$0x2] =	stream.linear.gather [hbm4b:s25+s2], $0x8000, $0x38;
	[tilespmem:$0x10080] =	vst v63  }
0x5e: {  	_ =	swait.ge [sflag:s4], $0x8000  }
0x5f: {  	[sflag:s4] =	ssyncset.done $0x0  }
0x60: {  	s26 =	sadd.s32 $0x916000, s28;
	[sflag:s4] =	ssyncadd.s32 $0xFFFF8000  }
0x61: {  	[tilespmem:s2], [sflag:$0x1] =	stream.linear.gather [hbm4b:s26+s2], $0x8000, $0x38;
	[tilespmem:$0x10080] =	vst v63  }
0x62: {  	_ =	swait.ge [sflag:s6], $0x8000  }
0x63: {  	[sflag:s6] =	ssyncset.done $0x0  }
0x64: {  	s30 =	ssub.s32 $0x2, s30;
	s28 =	sadd.s32 $0x917000, s28;
	[sflag:s6] =	ssyncadd.s32 $0xFFFF8000  }
0x65: {  	[tilespmem:s3], [sflag:$0x2] =	stream.linear.gather [hbm4b:s28+s2], $0x8000, $0x38;
	[tilespmem:$0x10080] =	vst v63  }
0x66: {  	s31 =	sshrl.u32 s30, $0x1;
	_ =	swait.ge [sflag:s4], $0x8000  }
0x67: {  	s30 =	ssub.s32 s30, s31;
	[sflag:s4] =	ssyncset.done $0x0  }
0x68: {  	s1 =	smax.u32 s30, $0x1;
	[sflag:s4] =	ssyncadd.s32 $0xFFFF8000  }
0x69: {  	p0 =	sne.s32 s1, $0x1;
	_ =	swait.ge [sflag:s6], $0x8000  }
.Ltmp0:
0x6a: {  	[sflag:s6] =	ssyncset.done $0x0;
	(pc) =	sbr.rel @!p0 .LBB2_2-.Ltmp0, $4  }
0x6b: {  	v0 =	vimm.f32 $0.0e+00;
	s29 =	sshll.u32 s29, $0x1;
	[sflag:s6] =	ssyncadd.s32 $0xFFFF8000  }
0x6c: {  	s29 =	sadd.s32 s0, s29;
	s31 =	simm.s32 $0x3;
	s30 =	simm.s32 $0x10000;
	[tilespmem:$0x10000] =	vst v0  }
0x6d: {  	[hbm4b:s29+s2] =	stream.linear.scatter [tilespmem:s30], [sflag:$0x3], $0x10, $0x38;
	[tilespmem:$0x10080] =	vst v63  }
0x6e: {  	s1 =	sadd.s32 $0xFFFFFFFF, s1;
	_ =	swait.ge [sflag:s31], $0x10  }
.LBB2_1:
0x6f: {  	[sflag:s31] =	ssyncset.done $0x0  }
0x70: {  	s0 =	rddreg [dreg:$0x3];
	[sflag:s31] =	ssyncadd.s32 $0xFFFFFFF0  }
0x71: {  	[tilespmem:s2], [sflag:$0x1] =	stream.linear.gather [hbm4b:s0+s2], $0x8000, $0x38;
	[tilespmem:$0x10080] =	vst v63  }
0x72: {  	s30 =	rddreg [dreg:$0x4]  }
0x73: {  	[tilespmem:s3], [sflag:$0x2] =	stream.linear.gather [hbm4b:s30+s2], $0x8000, $0x38;
	[tilespmem:$0x10080] =	vst v63  }
0x74: {  	_ =	swait.ge [sflag:s4], $0x8000  }
0x75: {  	[sflag:s4] =	ssyncset.done $0x0  }
0x76: {  	[sflag:s4] =	ssyncadd.s32 $0xFFFF8000  }
0x77: {  	[tilespmem:s2], [sflag:$0x1] =	stream.linear.gather [hbm4b:s5+s2], $0x8000, $0x38;
	[tilespmem:$0x10080] =	vst v63  }
0x78: {  	_ =	swait.ge [sflag:s6], $0x8000  }
0x79: {  	[sflag:s6] =	ssyncset.done $0x0  }
0x7a: {  	[sflag:s6] =	ssyncadd.s32 $0xFFFF8000  }
0x7b: {  	[tilespmem:s3], [sflag:$0x2] =	stream.linear.gather [hbm4b:s7+s2], $0x8000, $0x38;
	[tilespmem:$0x10080] =	vst v63  }
0x7c: {  	_ =	swait.ge [sflag:s4], $0x8000  }
0x7d: {  	[sflag:s4] =	ssyncset.done $0x0  }
0x7e: {  	[sflag:s4] =	ssyncadd.s32 $0xFFFF8000  }
0x7f: {  	[tilespmem:s2], [sflag:$0x1] =	stream.linear.gather [hbm4b:s8+s2], $0x8000, $0x38;
	[tilespmem:$0x10080] =	vst v63  }
0x80: {  	_ =	swait.ge [sflag:s6], $0x8000  }
0x81: {  	[sflag:s6] =	ssyncset.done $0x0  }
0x82: {  	[sflag:s6] =	ssyncadd.s32 $0xFFFF8000  }
0x83: {  	[tilespmem:s3], [sflag:$0x2] =	stream.linear.gather [hbm4b:s9+s2], $0x8000, $0x38;
	[tilespmem:$0x10080] =	vst v63  }
0x84: {  	_ =	swait.ge [sflag:s4], $0x8000  }
0x85: {  	[sflag:s4] =	ssyncset.done $0x0  }
0x86: {  	[sflag:s4] =	ssyncadd.s32 $0xFFFF8000  }
0x87: {  	[tilespmem:s2], [sflag:$0x1] =	stream.linear.gather [hbm4b:s10+s2], $0x8000, $0x38;
	[tilespmem:$0x10080] =	vst v63  }
0x88: {  	_ =	swait.ge [sflag:s6], $0x8000  }
0x89: {  	[sflag:s6] =	ssyncset.done $0x0  }
0x8a: {  	[sflag:s6] =	ssyncadd.s32 $0xFFFF8000  }
0x8b: {  	[tilespmem:s3], [sflag:$0x2] =	stream.linear.gather [hbm4b:s11+s2], $0x8000, $0x38;
	[tilespmem:$0x10080] =	vst v63  }
0x8c: {  	_ =	swait.ge [sflag:s4], $0x8000  }
0x8d: {  	[sflag:s4] =	ssyncset.done $0x0  }
0x8e: {  	[sflag:s4] =	ssyncadd.s32 $0xFFFF8000  }
0x8f: {  	[tilespmem:s2], [sflag:$0x1] =	stream.linear.gather [hbm4b:s12+s2], $0x8000, $0x38;
	[tilespmem:$0x10080] =	vst v63  }
0x90: {  	_ =	swait.ge [sflag:s6], $0x8000  }
0x91: {  	[sflag:s6] =	ssyncset.done $0x0  }
0x92: {  	[sflag:s6] =	ssyncadd.s32 $0xFFFF8000  }
0x93: {  	[tilespmem:s3], [sflag:$0x2] =	stream.linear.gather [hbm4b:s13+s2], $0x8000, $0x38;
	[tilespmem:$0x10080] =	vst v63  }
0x94: {  	_ =	swait.ge [sflag:s4], $0x8000  }
0x95: {  	[sflag:s4] =	ssyncset.done $0x0  }
0x96: {  	[sflag:s4] =	ssyncadd.s32 $0xFFFF8000  }
0x97: {  	[tilespmem:s2], [sflag:$0x1] =	stream.linear.gather [hbm4b:s14+s2], $0x8000, $0x38;
	[tilespmem:$0x10080] =	vst v63  }
0x98: {  	_ =	swait.ge [sflag:s6], $0x8000  }
0x99: {  	[sflag:s6] =	ssyncset.done $0x0  }
0x9a: {  	[sflag:s6] =	ssyncadd.s32 $0xFFFF8000  }
0x9b: {  	[tilespmem:s3], [sflag:$0x2] =	stream.linear.gather [hbm4b:s15+s2], $0x8000, $0x38;
	[tilespmem:$0x10080] =	vst v63  }
0x9c: {  	_ =	swait.ge [sflag:s4], $0x8000  }
0x9d: {  	[sflag:s4] =	ssyncset.done $0x0  }
0x9e: {  	[sflag:s4] =	ssyncadd.s32 $0xFFFF8000  }
0x9f: {  	[tilespmem:s2], [sflag:$0x1] =	stream.linear.gather [hbm4b:s16+s2], $0x8000, $0x38;
	[tilespmem:$0x10080] =	vst v63  }
0xa0: {  	_ =	swait.ge [sflag:s6], $0x8000  }
0xa1: {  	[sflag:s6] =	ssyncset.done $0x0  }
0xa2: {  	[sflag:s6] =	ssyncadd.s32 $0xFFFF8000  }
0xa3: {  	[tilespmem:s3], [sflag:$0x2] =	stream.linear.gather [hbm4b:s17+s2], $0x8000, $0x38;
	[tilespmem:$0x10080] =	vst v63  }
0xa4: {  	_ =	swait.ge [sflag:s4], $0x8000  }
0xa5: {  	[sflag:s4] =	ssyncset.done $0x0  }
0xa6: {  	[sflag:s4] =	ssyncadd.s32 $0xFFFF8000  }
0xa7: {  	[tilespmem:s2], [sflag:$0x1] =	stream.linear.gather [hbm4b:s18+s2], $0x8000, $0x38;
	[tilespmem:$0x10080] =	vst v63  }
0xa8: {  	_ =	swait.ge [sflag:s6], $0x8000  }
0xa9: {  	[sflag:s6] =	ssyncset.done $0x0  }
0xaa: {  	[sflag:s6] =	ssyncadd.s32 $0xFFFF8000  }
0xab: {  	[tilespmem:s3], [sflag:$0x2] =	stream.linear.gather [hbm4b:s19+s2], $0x8000, $0x38;
	[tilespmem:$0x10080] =	vst v63  }
0xac: {  	_ =	swait.ge [sflag:s4], $0x8000  }
0xad: {  	[sflag:s4] =	ssyncset.done $0x0  }
0xae: {  	[sflag:s4] =	ssyncadd.s32 $0xFFFF8000  }
0xaf: {  	[tilespmem:s2], [sflag:$0x1] =	stream.linear.gather [hbm4b:s20+s2], $0x8000, $0x38;
	[tilespmem:$0x10080] =	vst v63  }
0xb0: {  	_ =	swait.ge [sflag:s6], $0x8000  }
0xb1: {  	[sflag:s6] =	ssyncset.done $0x0  }
0xb2: {  	[sflag:s6] =	ssyncadd.s32 $0xFFFF8000  }
0xb3: {  	[tilespmem:s3], [sflag:$0x2] =	stream.linear.gather [hbm4b:s21+s2], $0x8000, $0x38;
	[tilespmem:$0x10080] =	vst v63  }
0xb4: {  	_ =	swait.ge [sflag:s4], $0x8000  }
0xb5: {  	[sflag:s4] =	ssyncset.done $0x0  }
0xb6: {  	[sflag:s4] =	ssyncadd.s32 $0xFFFF8000  }
0xb7: {  	[tilespmem:s2], [sflag:$0x1] =	stream.linear.gather [hbm4b:s22+s2], $0x8000, $0x38;
	[tilespmem:$0x10080] =	vst v63  }
0xb8: {  	_ =	swait.ge [sflag:s6], $0x8000  }
0xb9: {  	[sflag:s6] =	ssyncset.done $0x0  }
0xba: {  	[sflag:s6] =	ssyncadd.s32 $0xFFFF8000  }
0xbb: {  	[tilespmem:s3], [sflag:$0x2] =	stream.linear.gather [hbm4b:s23+s2], $0x8000, $0x38;
	[tilespmem:$0x10080] =	vst v63  }
0xbc: {  	_ =	swait.ge [sflag:s4], $0x8000  }
0xbd: {  	[sflag:s4] =	ssyncset.done $0x0  }
0xbe: {  	[sflag:s4] =	ssyncadd.s32 $0xFFFF8000  }
0xbf: {  	[tilespmem:s2], [sflag:$0x1] =	stream.linear.gather [hbm4b:s24+s2], $0x8000, $0x38;
	[tilespmem:$0x10080] =	vst v63  }
0xc0: {  	_ =	swait.ge [sflag:s6], $0x8000  }
0xc1: {  	[sflag:s6] =	ssyncset.done $0x0  }
0xc2: {  	[sflag:s6] =	ssyncadd.s32 $0xFFFF8000  }
0xc3: {  	[tilespmem:s3], [sflag:$0x2] =	stream.linear.gather [hbm4b:s25+s2], $0x8000, $0x38;
	[tilespmem:$0x10080] =	vst v63  }
0xc4: {  	_ =	swait.ge [sflag:s4], $0x8000  }
0xc5: {  	[sflag:s4] =	ssyncset.done $0x0  }
0xc6: {  	[sflag:s4] =	ssyncadd.s32 $0xFFFF8000  }
0xc7: {  	[tilespmem:s2], [sflag:$0x1] =	stream.linear.gather [hbm4b:s26+s2], $0x8000, $0x38;
	[tilespmem:$0x10080] =	vst v63  }
0xc8: {  	_ =	swait.ge [sflag:s6], $0x8000  }
0xc9: {  	[sflag:s6] =	ssyncset.done $0x0  }
0xca: {  	[sflag:s6] =	ssyncadd.s32 $0xFFFF8000  }
0xcb: {  	[tilespmem:s3], [sflag:$0x2] =	stream.linear.gather [hbm4b:s28+s2], $0x8000, $0x38;
	[tilespmem:$0x10080] =	vst v63  }
0xcc: {  	_ =	swait.ge [sflag:s4], $0x8000  }
0xcd: {  	[sflag:s4] =	ssyncset.done $0x0  }
0xce: {  	[sflag:s4] =	ssyncadd.s32 $0xFFFF8000  }
0xcf: {  	p0 =	sne.s32 s1, $0x1;
	_ =	swait.ge [sflag:s6], $0x8000  }
.Ltmp1:
0xd0: {  	[sflag:s6] =	ssyncset.done $0x0;
	(pc) =	sbr.rel @p0 .LBB2_1-.Ltmp1, $4  }
0xd1: {  	[sflag:s6] =	ssyncadd.s32 $0xFFFF8000  }
0xd2: {  	s30 =	simm.s32 $0x10000;
	[tilespmem:$0x10000] =	vst v0  }
0xd3: {  	[hbm4b:s29+s2] =	stream.linear.scatter [tilespmem:s30], [sflag:$0x3], $0x10, $0x38;
	[tilespmem:$0x10080] =	vst v63  }
0xd4: {  	s1 =	sadd.s32 $0xFFFFFFFF, s1;
	_ =	swait.ge [sflag:s31], $0x10  }
.LBB2_2:
0xd5: {  	[sflag:s31] =	ssyncset.done $0x0  }
0xd6: {  	[sflag:s31] =	ssyncadd.s32 $0xFFFFFFF0  }
0xd7: {  	_ =	sfence.sel $0x180000  }
0xd8: {  	[bflag:$0x0] =	sbarrier.arrive $0xFFFF  }
0xd9: {  	_ =	strace $0x90000047  }
0xda: {  	s0 =	stileid.u32;
	[bflag:$0x2] =	sbarrier.arrive $0xFFFF  }
0xdb: {  	p0 =	sne.s32 s0, $0x0;
	s0 =	rddreg [dreg:$0x2]  }
0xdc: {  	s0 =	sadd.s32 @!p0 $0x100000, s0  }
0xdd: {  	[sflag:s0] =	ssyncadd.tile.s32 @!p0 $0x1;
	_ =	shalt  }
.Lfunc_end2:
_tile_overlayer_lowered:
.L_overlay_start_2:
0xde: {  	(tag) =	ssettag $0x2  }
0xdf: {  	s0 =	rddreg [dreg:$0x0];
	s2 =	stileid.u32  }
0xe0: {  	s1 =	rddreg [dreg:$0x1];
	p0 =	sne.s32 s2, $0x0  }
0xe1: {  	s3 =	rddreg [dreg:$0x2];
	[bflag:$0x3] =	sbarrier.arrive $0xFFFF;
	s2 =	simm.s32 @!p0 $0x1C03  }
0xe2: {  	[timem:s3], [sflag:s2] =	dma.local @!p0 [hbm:s0], s1  }
0xe3: {  	s0 =	simm.s32 @!p0 $0x3  }
0xe4: {  	_ =	swait.ge @!p0 [sflag:s0], s1  }
0xe5: {  	s1 =	ssub.s32 @!p0 $0x0, s1;
	[sflag:s0] =	ssyncset.done @!p0 $0x0  }
0xe6: {  	[sflag:s0] =	ssyncadd.s32 @!p0 s1  }
0xe7: {  	[bflag:$0x3] =	sbarrier.arrive $0xFFFF  }
0xe8: {  	_ =	shalt  }

</sc_bundles>
